<compile_context>
chip_gen: v7x
topology: tpu7x:2x2x1
jax: 0.10.2.dev20260603
libtpu: 0.0.44.dev20260713+nightly
codegen_flags: <defaults>
</compile_context>

<pallas_src>
import functools

import jax
import jax.numpy as jnp
from jax import lax
from jax.experimental import pallas as pl
from jax.experimental.pallas import tpu as pltpu
from jax.experimental.pallas import tpu_sc as plsc

N = 50000
NPAD = 50048
F = 16
W = 24
NC = 2
NS = 16
NW = NC * NS
B = 1000
BPAD = 1008
Q = 40
SUBS = B // Q
ROWS_PER_TILE = NPAD // NS


def _sc_segment_accumulate(coord_features, indices, weights):
    E = indices.shape[0]
    EP = E // NW
    NCHUNK = EP // B

    mesh = plsc.VectorSubcoreMesh(core_axis_name="c", subcore_axis_name="s")

    @functools.partial(
        pl.kernel,
        mesh=mesh,
        compiler_params=pltpu.CompilerParams(use_tc_tiling_on_sc=False),
        out_type=jax.ShapeDtypeStruct((NC, NPAD, W), jnp.float32),
        scratch_types=[
            pltpu.VMEM((SUBS, Q), jnp.int32),
            pltpu.VMEM((BPAD,), jnp.float32),
            pltpu.VMEM((BPAD, F), jnp.float32),
            pltpu.VMEM((BPAD, W), jnp.float32),
            pltpu.VMEM_SHARED((NPAD, W), jnp.float32),
            pltpu.SemaphoreType.DMA,
            pltpu.SemaphoreType.DMA,
        ],
    )
    def sc_kernel(coord_hbm, idx_hbm, w_hbm, out_hbm,
                  idx_v, w_v, coord_v, wrow_v, acc, sem, sem_sc):
        c = lax.axis_index("c")
        s = lax.axis_index("s")
        wid = c * NS + s

        def zrow(i, carry):
            wrow_v[i, pl.ds(0, 16)] = jnp.zeros((16,), jnp.float32)
            wrow_v[i, pl.ds(W - 16, 16)] = jnp.zeros((16,), jnp.float32)
            return carry
        lax.fori_loop(0, BPAD, zrow, 0)

        r0 = s * ROWS_PER_TILE
        for off, sz in ((0, 1000), (1000, 1000), (2000, 1000), (3000, 128)):
            pltpu.sync_copy(wrow_v.at[pl.ds(0, sz), :],
                            acc.at[pl.ds(r0 + off, sz), :])
        plsc.subcore_barrier()

        def cw_copies(base):
            return [
                pltpu.make_async_copy(
                    w_hbm.at[pl.ds(base, B)], w_v.at[pl.ds(0, B)], sem),
                pltpu.make_async_copy(
                    coord_hbm.at[pl.ds(base, B), :],
                    coord_v.at[pl.ds(0, B), :], sem),
            ]

        def idx_copy(base):
            return pltpu.make_async_copy(
                idx_hbm.at[pl.ds(base // Q, SUBS), :], idx_v, sem)

        base0 = wid * EP
        last = wid * EP + (NCHUNK - 1) * B
        for cp in cw_copies(base0):
            cp.start()
        idx_copy(base0).start()

        def chunk_body(ci, carry):
            base = wid * EP + ci * B
            nxt = jnp.minimum(base + B, last)
            for cp in cw_copies(base):
                cp.wait()
            idx_copy(base).wait()

            def g_body(g, carry2):
                e0 = g * 16
                wvec = w_v[pl.ds(e0, 16)]
                for j in range(16):
                    e = e0 + j
                    wj = wvec[j]
                    wrow_v[e, pl.ds(W - 16, 16)] = jnp.full((16,), wj,
                                                            jnp.float32)
                    wrow_v[e, pl.ds(0, F)] = coord_v[e, :] * wj
                return carry2
            lax.fori_loop(0, BPAD // 16, g_body, 0)

            for cp in cw_copies(nxt):
                cp.start()

            scs = []
            for j in range(SUBS):
                scs.append(pltpu.async_copy(
                    wrow_v.at[pl.ds(j * Q, Q), :],
                    acc.at[idx_v.at[j]], sem_sc, add=True))
            for d in scs:
                d.wait()
            idx_copy(nxt).start()
            return carry
        lax.fori_loop(0, NCHUNK, chunk_body, 0)
        for cp in cw_copies(last):
            cp.wait()
        idx_copy(last).wait()

        plsc.subcore_barrier()
        pltpu.sync_copy(acc.at[pl.ds(r0, ROWS_PER_TILE), :],
                        out_hbm.at[c, pl.ds(r0, ROWS_PER_TILE), :])

    idx2d = indices.reshape(E // Q, Q)
    return sc_kernel(coord_features, idx2d, weights)


def _tc_finish_body(p_ref, emb_ref, o_ref):
    a = p_ref[0] + p_ref[1]
    feat = a[:, 0:F]
    ws = a[:, F:F + 1]
    y = lax.dot_general(feat, emb_ref[...],
                        (((1,), (1,)), ((), ())),
                        preferred_element_type=jnp.float32)
    o_ref[...] = y / ws


def _tc_finish(partials, embedding):
    U = embedding.shape[0]
    R = 2000
    grid = (N // R,)
    return pl.pallas_call(
        _tc_finish_body,
        grid=grid,
        in_specs=[
            pl.BlockSpec((NC, R, W), lambda i: (0, i, 0)),
            pl.BlockSpec((U, F), lambda i: (0, 0)),
        ],
        out_specs=pl.BlockSpec((R, U), lambda i: (i, 0)),
        out_shape=jax.ShapeDtypeStruct((N, U), jnp.float32),
    )(partials, embedding)


def kernel(coord_features, indices, weights, embedding):
    partials = _sc_segment_accumulate(coord_features, indices, weights)
    return _tc_finish(partials, embedding)

# --- scband reference (transcript-rebuilt; emitter-appended) ---
"""Pipeline reference for scband-featureless-ragged-convolution-45612552683659 (READ-ONLY COPY).

The authoritative reference and input builder live on the scoring server;
editing this copy changes nothing except your own understanding.
"""

import jax, jax.numpy as jnp
import numpy as np

UNITS = 128
F = 16
E = 800000
N = 50000


def setup_inputs(seed: int = 0) -> dict:
    key = jax.random.key(seed)
    k1, k2, k3, k4 = jax.random.split(key, 4)
    coord_features = jax.random.normal(k1, (E, F), dtype=jnp.float32)
    indices = jax.random.randint(k2, (E,), 0, N, dtype=jnp.int32)
    # guarantee the max segment id is present so num_segments == N deterministically
    indices = indices.at[0].set(N - 1)
    weights = jax.random.uniform(k3, (E,), dtype=jnp.float32)
    # glorot_uniform init for the learned embedding of shape (units, coord_feature_size)
    limit = float(np.sqrt(6.0 / (UNITS + F)))
    embedding = jax.random.uniform(k4, (UNITS, F), minval=-limit, maxval=limit, dtype=jnp.float32)
    return {
        "coord_features": coord_features,
        "indices": indices,
        "weights": weights,
        "embedding": embedding,
    }


def reference(coord_features, indices, weights, embedding):
    # features[e, u] = sum_f embedding[u, f] * coord_features[e, f]
    # (identical math to tf: reduce_sum(embedding * expand_dims(coord, -2), axis=-1),
    #  expressed as a matmul to avoid materializing the [E, units, F] broadcast)
    features = coord_features @ embedding.T  # [E, UNITS]
    # activation is None in this configuration
    # setup_inputs guarantees max(indices) == N - 1 on every seed, so num_segments is statically N
    num_segments = N
    w = weights[:, None]  # [E, 1]
    fw = jax.ops.segment_sum(features * w, indices, num_segments=num_segments)  # [N, UNITS]
    ws = jax.ops.segment_sum(w, indices, num_segments=num_segments)  # [N, 1]
    return fw / ws

if __name__ == "__main__":
    import jax
    _d = setup_inputs()
    print(jax.jit(kernel)(*tuple(_d.values())))

</pallas_src>

<mosaic_0001>
#map = affine_map<(d0, d1) -> (0, 0)>
#map1 = affine_map<(d0, d1) -> (0)>
#map2 = affine_map<(d0, d1) -> (0, 0, 0)>
module attributes {stable_mosaic.version = 14 : i64} {
  func.func @sc_kernel(%arg0: i32, %arg1: i32, %arg2: memref<800000x16xf32, #tpu.memory_space<hbm>>, %arg3: memref<20000x40xi32, #tpu.memory_space<hbm>>, %arg4: memref<800000xf32, #tpu.memory_space<hbm>>, %arg5: memref<2x50048x24xf32, #tpu.memory_space<hbm>>, %arg6: memref<25x40xi32, #tpu.memory_space<vmem>>, %arg7: memref<1008xf32, #tpu.memory_space<vmem>>, %arg8: memref<1008x16xf32, #tpu.memory_space<vmem>>, %arg9: memref<1008x24xf32, #tpu.memory_space<vmem>>, %arg10: memref<50048x24xf32, #tpu.memory_space<vmem_shared>>, %arg11: memref<!tpu.dma_semaphore, #tpu.memory_space<semaphore_mem>>, %arg12: memref<!tpu.dma_semaphore, #tpu.memory_space<semaphore_mem>>) attributes {dimension_semantics = [#tpu.dimension_semantics<core_parallel>, #tpu.dimension_semantics<subcore_parallel>], iteration_bounds = array<i64: 2, 16>, scalar_prefetch = 0 : i64, scratch_operands = 7 : i64, tpu.core_type = #tpu.core_type<sc_vector_subcore>, window_params = [{transform_indices = #map}, {transform_indices = #map}, {transform_indices = #map1}, {transform_indices = #map2}]} {
    %mul3A = arith.constant 16 : i32
    %mul3A_0 = arith.muli %arg0, %mul3A : i32
    %add3A = arith.addi %mul3A_0, %arg1 : i32
    %scan3A = arith.constant 0 : i32
    %scan3A_1 = arith.constant 0 : i32
    %scan3A_2 = arith.constant 1008 : i32
    %scan3A_3 = arith.addi %scan3A_1, %scan3A_2 : i32
    %scan3A_4 = arith.constant 1 : i32
    scf.for %scan3A_107 = %scan3A_1 to %scan3A_3 step %scan3A_4  : i32 {
      %broadcast_in_dim3A = arith.constant 0.000000e+00 : f32
      %broadcast_in_dim3A_108 = vector.broadcast %broadcast_in_dim3A : f32 to vector<16xf32>
      %swap3A = arith.index_cast %scan3A_107 : i32 to index
      %swap3A_109 = arith.constant 0 : index
      %swap3A_110 = tpu.vector_load %arg9[%swap3A, %swap3A_109] {strides = array<i32>} : memref<1008x24xf32, #tpu.memory_space<vmem>>, vector<1x16xf32>,
      %swap3A_111 = vector.shape_cast %swap3A_110 : vector<1x16xf32> to vector<16xf32>
      %swap3A_112 = vector.shape_cast %broadcast_in_dim3A_108 : vector<16xf32> to vector<1x16xf32>
      tpu.vector_store %arg9[%swap3A, %swap3A_109], %swap3A_112 {strides = array<i32>} : memref<1008x24xf32, #tpu.memory_space<vmem>>, vector<1x16xf32>,
      %broadcast_in_dim3A_113 = arith.constant 0.000000e+00 : f32
      %broadcast_in_dim3A_114 = vector.broadcast %broadcast_in_dim3A_113 : f32 to vector<16xf32>
      %swap3A_115 = arith.index_cast %scan3A_107 : i32 to index
      %swap3A_116 = arith.constant 8 : index
      %swap3A_117 = tpu.vector_load %arg9[%swap3A_115, %swap3A_116] {strides = array<i32>} : memref<1008x24xf32, #tpu.memory_space<vmem>>, vector<1x16xf32>,
      %swap3A_118 = vector.shape_cast %swap3A_117 : vector<1x16xf32> to vector<16xf32>
      %swap3A_119 = vector.shape_cast %broadcast_in_dim3A_114 : vector<16xf32> to vector<1x16xf32>
      tpu.vector_store %arg9[%swap3A_115, %swap3A_116], %swap3A_119 {strides = array<i32>} : memref<1008x24xf32, #tpu.memory_space<vmem>>, vector<1x16xf32>,
    }
    %scan3A_5 = arith.constant 1008 : i32
    %mul3A_6 = arith.constant 3128 : i32
    %mul3A_7 = arith.muli %arg1, %mul3A_6 : i32
    %add3A_8 = arith.constant 0 : i32
    %add3A_9 = arith.addi %mul3A_7, %add3A_8 : i32
    "tpu.region"() ({
      %run_scoped3A = tpu.sem_alloc : memref<!tpu.dma_semaphore, #tpu.memory_space<semaphore_mem>>
      %dma_start3A_107 = arith.constant 0 : i32
      %dma_start3A_108 = arith.constant 0 : i32
      %dma_start3A_109 = tpu.memref_slice %arg9[%dma_start3A_107, %dma_start3A_108] : memref<1008x24xf32, #tpu.memory_space<vmem>> -> memref<1000x24xf32, #tpu.memory_space<vmem>>
      %dma_start3A_110 = arith.constant 0 : i32
      %dma_start3A_111 = tpu.memref_slice %arg10[%add3A_9, %dma_start3A_110] : memref<50048x24xf32, #tpu.memory_space<vmem_shared>> -> memref<1000x24xf32, #tpu.memory_space<vmem_shared>>
      %dma_start3A_112 = arith.constant 0 : i32
      %dma_start3A_113 = tpu.memref_slice %arg10[%add3A_9, %dma_start3A_112] : memref<50048x24xf32, #tpu.memory_space<vmem_shared>> -> memref<1000x24xf32, #tpu.memory_space<vmem_shared>>
      %dma_start3A_114 = arith.constant 0 : i32
      %dma_start3A_115 = arith.constant 0 : i32
      %dma_start3A_116 = tpu.memref_slice %arg9[%dma_start3A_114, %dma_start3A_115] : memref<1008x24xf32, #tpu.memory_space<vmem>> -> memref<1000x24xf32, #tpu.memory_space<vmem>>
      tpu.enqueue_dma source(%dma_start3A_116 : memref<1000x24xf32, #tpu.memory_space<vmem>>) target(%dma_start3A_113 : memref<1000x24xf32, #tpu.memory_space<vmem_shared>>) target_semaphore(%run_scoped3A : memref<!tpu.dma_semaphore, #tpu.memory_space<semaphore_mem>>)
      %dma_wait3A_117 = arith.constant 0 : i32
      %dma_wait3A_118 = arith.constant 0 : i32
      %dma_wait3A_119 = tpu.memref_slice %arg9[%dma_wait3A_117, %dma_wait3A_118] : memref<1008x24xf32, #tpu.memory_space<vmem>> -> memref<1000x24xf32, #tpu.memory_space<vmem>>
      %dma_wait3A_120 = arith.constant 0 : i32
      %dma_wait3A_121 = tpu.memref_slice %arg10[%add3A_9, %dma_wait3A_120] : memref<50048x24xf32, #tpu.memory_space<vmem_shared>> -> memref<1000x24xf32, #tpu.memory_space<vmem_shared>>
      %dma_wait3A_122 = arith.constant 0 : i32
      %dma_wait3A_123 = tpu.memref_slice %arg10[%add3A_9, %dma_wait3A_122] : memref<50048x24xf32, #tpu.memory_space<vmem_shared>> -> memref<1000x24xf32, #tpu.memory_space<vmem_shared>>
      %dma_wait3A_124 = arith.constant 0 : i32
      %dma_wait3A_125 = arith.constant 0 : i32
      %dma_wait3A_126 = tpu.memref_slice %arg9[%dma_wait3A_124, %dma_wait3A_125] : memref<1008x24xf32, #tpu.memory_space<vmem>> -> memref<1000x24xf32, #tpu.memory_space<vmem>>
      tpu.wait_dma2 semaphore(%run_scoped3A : memref<!tpu.dma_semaphore, #tpu.memory_space<semaphore_mem>>) src(%dma_wait3A_126 : memref<1000x24xf32, #tpu.memory_space<vmem>>) dst(%dma_wait3A_123 : memref<1000x24xf32, #tpu.memory_space<vmem_shared>>)
      tpu.yield
    }) : () -> ()
    %add3A_10 = arith.constant 1000 : i32
    %add3A_11 = arith.addi %mul3A_7, %add3A_10 : i32
    "tpu.region"() ({
      %run_scoped3A = tpu.sem_alloc : memref<!tpu.dma_semaphore, #tpu.memory_space<semaphore_mem>>
      %dma_start3A_107 = arith.constant 0 : i32
      %dma_start3A_108 = arith.constant 0 : i32
      %dma_start3A_109 = tpu.memref_slice %arg9[%dma_start3A_107, %dma_start3A_108] : memref<1008x24xf32, #tpu.memory_space<vmem>> -> memref<1000x24xf32, #tpu.memory_space<vmem>>
      %dma_start3A_110 = arith.constant 0 : i32
      %dma_start3A_111 = tpu.memref_slice %arg10[%add3A_11, %dma_start3A_110] : memref<50048x24xf32, #tpu.memory_space<vmem_shared>> -> memref<1000x24xf32, #tpu.memory_space<vmem_shared>>
      %dma_start3A_112 = arith.constant 0 : i32
      %dma_start3A_113 = tpu.memref_slice %arg10[%add3A_11, %dma_start3A_112] : memref<50048x24xf32, #tpu.memory_space<vmem_shared>> -> memref<1000x24xf32, #tpu.memory_space<vmem_shared>>
      %dma_start3A_114 = arith.constant 0 : i32
      %dma_start3A_115 = arith.constant 0 : i32
      %dma_start3A_116 = tpu.memref_slice %arg9[%dma_start3A_114, %dma_start3A_115] : memref<1008x24xf32, #tpu.memory_space<vmem>> -> memref<1000x24xf32, #tpu.memory_space<vmem>>
      tpu.enqueue_dma source(%dma_start3A_116 : memref<1000x24xf32, #tpu.memory_space<vmem>>) target(%dma_start3A_113 : memref<1000x24xf32, #tpu.memory_space<vmem_shared>>) target_semaphore(%run_scoped3A : memref<!tpu.dma_semaphore, #tpu.memory_space<semaphore_mem>>)
      %dma_wait3A_117 = arith.constant 0 : i32
      %dma_wait3A_118 = arith.constant 0 : i32
      %dma_wait3A_119 = tpu.memref_slice %arg9[%dma_wait3A_117, %dma_wait3A_118] : memref<1008x24xf32, #tpu.memory_space<vmem>> -> memref<1000x24xf32, #tpu.memory_space<vmem>>
      %dma_wait3A_120 = arith.constant 0 : i32
      %dma_wait3A_121 = tpu.memref_slice %arg10[%add3A_11, %dma_wait3A_120] : memref<50048x24xf32, #tpu.memory_space<vmem_shared>> -> memref<1000x24xf32, #tpu.memory_space<vmem_shared>>
      %dma_wait3A_122 = arith.constant 0 : i32
      %dma_wait3A_123 = tpu.memref_slice %arg10[%add3A_11, %dma_wait3A_122] : memref<50048x24xf32, #tpu.memory_space<vmem_shared>> -> memref<1000x24xf32, #tpu.memory_space<vmem_shared>>
      %dma_wait3A_124 = arith.constant 0 : i32
      %dma_wait3A_125 = arith.constant 0 : i32
      %dma_wait3A_126 = tpu.memref_slice %arg9[%dma_wait3A_124, %dma_wait3A_125] : memref<1008x24xf32, #tpu.memory_space<vmem>> -> memref<1000x24xf32, #tpu.memory_space<vmem>>
      tpu.wait_dma2 semaphore(%run_scoped3A : memref<!tpu.dma_semaphore, #tpu.memory_space<semaphore_mem>>) src(%dma_wait3A_126 : memref<1000x24xf32, #tpu.memory_space<vmem>>) dst(%dma_wait3A_123 : memref<1000x24xf32, #tpu.memory_space<vmem_shared>>)
      tpu.yield
    }) : () -> ()
    %add3A_12 = arith.constant 2000 : i32
    %add3A_13 = arith.addi %mul3A_7, %add3A_12 : i32
    "tpu.region"() ({
      %run_scoped3A = tpu.sem_alloc : memref<!tpu.dma_semaphore, #tpu.memory_space<semaphore_mem>>
      %dma_start3A_107 = arith.constant 0 : i32
      %dma_start3A_108 = arith.constant 0 : i32
      %dma_start3A_109 = tpu.memref_slice %arg9[%dma_start3A_107, %dma_start3A_108] : memref<1008x24xf32, #tpu.memory_space<vmem>> -> memref<1000x24xf32, #tpu.memory_space<vmem>>
      %dma_start3A_110 = arith.constant 0 : i32
      %dma_start3A_111 = tpu.memref_slice %arg10[%add3A_13, %dma_start3A_110] : memref<50048x24xf32, #tpu.memory_space<vmem_shared>> -> memref<1000x24xf32, #tpu.memory_space<vmem_shared>>
      %dma_start3A_112 = arith.constant 0 : i32
      %dma_start3A_113 = tpu.memref_slice %arg10[%add3A_13, %dma_start3A_112] : memref<50048x24xf32, #tpu.memory_space<vmem_shared>> -> memref<1000x24xf32, #tpu.memory_space<vmem_shared>>
      %dma_start3A_114 = arith.constant 0 : i32
      %dma_start3A_115 = arith.constant 0 : i32
      %dma_start3A_116 = tpu.memref_slice %arg9[%dma_start3A_114, %dma_start3A_115] : memref<1008x24xf32, #tpu.memory_space<vmem>> -> memref<1000x24xf32, #tpu.memory_space<vmem>>
      tpu.enqueue_dma source(%dma_start3A_116 : memref<1000x24xf32, #tpu.memory_space<vmem>>) target(%dma_start3A_113 : memref<1000x24xf32, #tpu.memory_space<vmem_shared>>) target_semaphore(%run_scoped3A : memref<!tpu.dma_semaphore, #tpu.memory_space<semaphore_mem>>)
      %dma_wait3A_117 = arith.constant 0 : i32
      %dma_wait3A_118 = arith.constant 0 : i32
      %dma_wait3A_119 = tpu.memref_slice %arg9[%dma_wait3A_117, %dma_wait3A_118] : memref<1008x24xf32, #tpu.memory_space<vmem>> -> memref<1000x24xf32, #tpu.memory_space<vmem>>
      %dma_wait3A_120 = arith.constant 0 : i32
      %dma_wait3A_121 = tpu.memref_slice %arg10[%add3A_13, %dma_wait3A_120] : memref<50048x24xf32, #tpu.memory_space<vmem_shared>> -> memref<1000x24xf32, #tpu.memory_space<vmem_shared>>
      %dma_wait3A_122 = arith.constant 0 : i32
      %dma_wait3A_123 = tpu.memref_slice %arg10[%add3A_13, %dma_wait3A_122] : memref<50048x24xf32, #tpu.memory_space<vmem_shared>> -> memref<1000x24xf32, #tpu.memory_space<vmem_shared>>
      %dma_wait3A_124 = arith.constant 0 : i32
      %dma_wait3A_125 = arith.constant 0 : i32
      %dma_wait3A_126 = tpu.memref_slice %arg9[%dma_wait3A_124, %dma_wait3A_125] : memref<1008x24xf32, #tpu.memory_space<vmem>> -> memref<1000x24xf32, #tpu.memory_space<vmem>>
      tpu.wait_dma2 semaphore(%run_scoped3A : memref<!tpu.dma_semaphore, #tpu.memory_space<semaphore_mem>>) src(%dma_wait3A_126 : memref<1000x24xf32, #tpu.memory_space<vmem>>) dst(%dma_wait3A_123 : memref<1000x24xf32, #tpu.memory_space<vmem_shared>>)
      tpu.yield
    }) : () -> ()
    %add3A_14 = arith.constant 3000 : i32
    %add3A_15 = arith.addi %mul3A_7, %add3A_14 : i32
    "tpu.region"() ({
      %run_scoped3A = tpu.sem_alloc : memref<!tpu.dma_semaphore, #tpu.memory_space<semaphore_mem>>
      %dma_start3A_107 = arith.constant 0 : i32
      %dma_start3A_108 = arith.constant 0 : i32
      %dma_start3A_109 = tpu.memref_slice %arg9[%dma_start3A_107, %dma_start3A_108] : memref<1008x24xf32, #tpu.memory_space<vmem>> -> memref<128x24xf32, #tpu.memory_space<vmem>>
      %dma_start3A_110 = arith.constant 0 : i32
      %dma_start3A_111 = tpu.memref_slice %arg10[%add3A_15, %dma_start3A_110] : memref<50048x24xf32, #tpu.memory_space<vmem_shared>> -> memref<128x24xf32, #tpu.memory_space<vmem_shared>>
      %dma_start3A_112 = arith.constant 0 : i32
      %dma_start3A_113 = tpu.memref_slice %arg10[%add3A_15, %dma_start3A_112] : memref<50048x24xf32, #tpu.memory_space<vmem_shared>> -> memref<128x24xf32, #tpu.memory_space<vmem_shared>>
      %dma_start3A_114 = arith.constant 0 : i32
      %dma_start3A_115 = arith.constant 0 : i32
      %dma_start3A_116 = tpu.memref_slice %arg9[%dma_start3A_114, %dma_start3A_115] : memref<1008x24xf32, #tpu.memory_space<vmem>> -> memref<128x24xf32, #tpu.memory_space<vmem>>
      tpu.enqueue_dma source(%dma_start3A_116 : memref<128x24xf32, #tpu.memory_space<vmem>>) target(%dma_start3A_113 : memref<128x24xf32, #tpu.memory_space<vmem_shared>>) target_semaphore(%run_scoped3A : memref<!tpu.dma_semaphore, #tpu.memory_space<semaphore_mem>>)
      %dma_wait3A_117 = arith.constant 0 : i32
      %dma_wait3A_118 = arith.constant 0 : i32
      %dma_wait3A_119 = tpu.memref_slice %arg9[%dma_wait3A_117, %dma_wait3A_118] : memref<1008x24xf32, #tpu.memory_space<vmem>> -> memref<128x24xf32, #tpu.memory_space<vmem>>
      %dma_wait3A_120 = arith.constant 0 : i32
      %dma_wait3A_121 = tpu.memref_slice %arg10[%add3A_15, %dma_wait3A_120] : memref<50048x24xf32, #tpu.memory_space<vmem_shared>> -> memref<128x24xf32, #tpu.memory_space<vmem_shared>>
      %dma_wait3A_122 = arith.constant 0 : i32
      %dma_wait3A_123 = tpu.memref_slice %arg10[%add3A_15, %dma_wait3A_122] : memref<50048x24xf32, #tpu.memory_space<vmem_shared>> -> memref<128x24xf32, #tpu.memory_space<vmem_shared>>
      %dma_wait3A_124 = arith.constant 0 : i32
      %dma_wait3A_125 = arith.constant 0 : i32
      %dma_wait3A_126 = tpu.memref_slice %arg9[%dma_wait3A_124, %dma_wait3A_125] : memref<1008x24xf32, #tpu.memory_space<vmem>> -> memref<128x24xf32, #tpu.memory_space<vmem>>
      tpu.wait_dma2 semaphore(%run_scoped3A : memref<!tpu.dma_semaphore, #tpu.memory_space<semaphore_mem>>) src(%dma_wait3A_126 : memref<128x24xf32, #tpu.memory_space<vmem>>) dst(%dma_wait3A_123 : memref<128x24xf32, #tpu.memory_space<vmem_shared>>)
      tpu.yield
    }) : () -> ()
    %barrier3A = arith.constant 0 : index
    tpu.barrier barrier_id(%barrier3A)
    %mul3A_16 = arith.constant 25000 : i32
    %mul3A_17 = arith.muli %add3A, %mul3A_16 : i32
    %mul3A_18 = arith.constant 25000 : i32
    %mul3A_19 = arith.muli %add3A, %mul3A_18 : i32
    %add3A_20 = arith.constant 24000 : i32
    %add3A_21 = arith.addi %mul3A_19, %add3A_20 : i32
    %dma_start3A = arith.constant 0 : i32
    %dma_start3A_22 = tpu.memref_slice %arg7[%dma_start3A] : memref<1008xf32, #tpu.memory_space<vmem>> -> memref<1000xf32, #tpu.memory_space<vmem>>
    %dma_start3A_23 = tpu.memref_slice %arg4[%mul3A_17] : memref<800000xf32, #tpu.memory_space<hbm>> -> memref<1000xf32, #tpu.memory_space<hbm>>
    %dma_start3A_24 = arith.constant 0 : i32
    %dma_start3A_25 = tpu.memref_slice %arg7[%dma_start3A_24] : memref<1008xf32, #tpu.memory_space<vmem>> -> memref<1000xf32, #tpu.memory_space<vmem>>
    %dma_start3A_26 = tpu.memref_slice %arg4[%mul3A_17] : memref<800000xf32, #tpu.memory_space<hbm>> -> memref<1000xf32, #tpu.memory_space<hbm>>
    tpu.enqueue_dma source(%dma_start3A_26 : memref<1000xf32, #tpu.memory_space<hbm>>) target(%dma_start3A_25 : memref<1000xf32, #tpu.memory_space<vmem>>) target_semaphore(%arg11 : memref<!tpu.dma_semaphore, #tpu.memory_space<semaphore_mem>>)
    %dma_start3A_27 = arith.constant 0 : i32
    %dma_start3A_28 = arith.constant 0 : i32
    %dma_start3A_29 = tpu.memref_slice %arg8[%dma_start3A_27, %dma_start3A_28] : memref<1008x16xf32, #tpu.memory_space<vmem>> -> memref<1000x16xf32, #tpu.memory_space<vmem>>
    %dma_start3A_30 = arith.constant 0 : i32
    %dma_start3A_31 = tpu.memref_slice %arg2[%mul3A_17, %dma_start3A_30] : memref<800000x16xf32, #tpu.memory_space<hbm>> -> memref<1000x16xf32, #tpu.memory_space<hbm>>
    %dma_start3A_32 = arith.constant 0 : i32
    %dma_start3A_33 = arith.constant 0 : i32
    %dma_start3A_34 = tpu.memref_slice %arg8[%dma_start3A_32, %dma_start3A_33] : memref<1008x16xf32, #tpu.memory_space<vmem>> -> memref<1000x16xf32, #tpu.memory_space<vmem>>
    %dma_start3A_35 = arith.constant 0 : i32
    %dma_start3A_36 = tpu.memref_slice %arg2[%mul3A_17, %dma_start3A_35] : memref<800000x16xf32, #tpu.memory_space<hbm>> -> memref<1000x16xf32, #tpu.memory_space<hbm>>
    tpu.enqueue_dma source(%dma_start3A_36 : memref<1000x16xf32, #tpu.memory_space<hbm>>) target(%dma_start3A_34 : memref<1000x16xf32, #tpu.memory_space<vmem>>) target_semaphore(%arg11 : memref<!tpu.dma_semaphore, #tpu.memory_space<semaphore_mem>>)
    %jit3A = arith.constant 40 : i32
    %div3A = arith.divsi %mul3A_17, %jit3A : i32
    %sign3A = arith.constant 0 : i32
    %sign3A_37 = arith.cmpi sgt, %mul3A_17, %sign3A : i32
    %sign3A_38 = arith.extui %sign3A_37 : i1 to i32
    %sign3A_39 = arith.constant 0 : i32
    %sign3A_40 = arith.cmpi slt, %mul3A_17, %sign3A_39 : i32
    %sign3A_41 = arith.extui %sign3A_40 : i1 to i32
    %sign3A_42 = arith.subi %sign3A_38, %sign3A_41 : i32
    %sign3A_43 = arith.constant 0 : i32
    %sign3A_44 = arith.cmpi sgt, %jit3A, %sign3A_43 : i32
    %sign3A_45 = arith.extui %sign3A_44 : i1 to i32
    %sign3A_46 = arith.constant 0 : i32
    %sign3A_47 = arith.cmpi slt, %jit3A, %sign3A_46 : i32
    %sign3A_48 = arith.extui %sign3A_47 : i1 to i32
    %sign3A_49 = arith.subi %sign3A_45, %sign3A_48 : i32
    %ne3A = arith.cmpi ne, %sign3A_42, %sign3A_49 : i32
    %rem3A = arith.remsi %mul3A_17, %jit3A : i32
    %ne3A_50 = arith.constant 0 : i32
    %ne3A_51 = arith.cmpi ne, %rem3A, %ne3A_50 : i32
    %and3A = arith.andi %ne3A, %ne3A_51 : i1
    %sub3A = arith.constant 1 : i32
    %sub3A_52 = arith.subi %div3A, %sub3A : i32
    %select_n3A = arith.select %and3A, %sub3A_52, %div3A : i32
    %dma_start3A_53 = arith.constant 0 : i32
    %dma_start3A_54 = tpu.memref_slice %arg3[%select_n3A, %dma_start3A_53] : memref<20000x40xi32, #tpu.memory_space<hbm>> -> memref<25x40xi32, #tpu.memory_space<hbm>>
    %dma_start3A_55 = arith.constant 0 : i32
    %dma_start3A_56 = tpu.memref_slice %arg3[%select_n3A, %dma_start3A_55] : memref<20000x40xi32, #tpu.memory_space<hbm>> -> memref<25x40xi32, #tpu.memory_space<hbm>>
    tpu.enqueue_dma source(%dma_start3A_56 : memref<25x40xi32, #tpu.memory_space<hbm>>) target(%arg6 : memref<25x40xi32, #tpu.memory_space<vmem>>) target_semaphore(%arg11 : memref<!tpu.dma_semaphore, #tpu.memory_space<semaphore_mem>>)
    %scan3A_57 = arith.constant 0 : i32
    %scan3A_58 = arith.constant 0 : i32
    %scan3A_59 = arith.constant 25 : i32
    %scan3A_60 = arith.addi %scan3A_58, %scan3A_59 : i32
    %scan3A_61 = arith.constant 1 : i32
    scf.for %scan3A_107 = %scan3A_58 to %scan3A_60 step %scan3A_61  : i32 {
      %mul3A_108 = arith.constant 25000 : i32
      %mul3A_109 = arith.muli %add3A, %mul3A_108 : i32
      %mul3A_110 = arith.constant 1000 : i32
      %mul3A_111 = arith.muli %scan3A_107, %mul3A_110 : i32
      %add3A_112 = arith.addi %mul3A_109, %mul3A_111 : i32
      %add3A_113 = arith.constant 1000 : i32
      %add3A_114 = arith.addi %add3A_112, %add3A_113 : i32
      %min3A = arith.minsi %add3A_114, %add3A_21 : i32
      %dma_wait3A_115 = arith.constant 0 : i32
      %dma_wait3A_116 = tpu.memref_slice %arg7[%dma_wait3A_115] : memref<1008xf32, #tpu.memory_space<vmem>> -> memref<1000xf32, #tpu.memory_space<vmem>>
      %dma_wait3A_117 = tpu.memref_slice %arg4[%add3A_112] : memref<800000xf32, #tpu.memory_space<hbm>> -> memref<1000xf32, #tpu.memory_space<hbm>>
      %dma_wait3A_118 = arith.constant 0 : i32
      %dma_wait3A_119 = tpu.memref_slice %arg7[%dma_wait3A_118] : memref<1008xf32, #tpu.memory_space<vmem>> -> memref<1000xf32, #tpu.memory_space<vmem>>
      %dma_wait3A_120 = tpu.memref_slice %arg4[%add3A_112] : memref<800000xf32, #tpu.memory_space<hbm>> -> memref<1000xf32, #tpu.memory_space<hbm>>
      tpu.wait_dma2 semaphore(%arg11 : memref<!tpu.dma_semaphore, #tpu.memory_space<semaphore_mem>>) src(%dma_wait3A_120 : memref<1000xf32, #tpu.memory_space<hbm>>) dst(%dma_wait3A_119 : memref<1000xf32, #tpu.memory_space<vmem>>)
      %dma_wait3A_121 = arith.constant 0 : i32
      %dma_wait3A_122 = arith.constant 0 : i32
      %dma_wait3A_123 = tpu.memref_slice %arg8[%dma_wait3A_121, %dma_wait3A_122] : memref<1008x16xf32, #tpu.memory_space<vmem>> -> memref<1000x16xf32, #tpu.memory_space<vmem>>
      %dma_wait3A_124 = arith.constant 0 : i32
      %dma_wait3A_125 = tpu.memref_slice %arg2[%add3A_112, %dma_wait3A_124] : memref<800000x16xf32, #tpu.memory_space<hbm>> -> memref<1000x16xf32, #tpu.memory_space<hbm>>
      %dma_wait3A_126 = arith.constant 0 : i32
      %dma_wait3A_127 = arith.constant 0 : i32
      %dma_wait3A_128 = tpu.memref_slice %arg8[%dma_wait3A_126, %dma_wait3A_127] : memref<1008x16xf32, #tpu.memory_space<vmem>> -> memref<1000x16xf32, #tpu.memory_space<vmem>>
      %dma_wait3A_129 = arith.constant 0 : i32
      %dma_wait3A_130 = tpu.memref_slice %arg2[%add3A_112, %dma_wait3A_129] : memref<800000x16xf32, #tpu.memory_space<hbm>> -> memref<1000x16xf32, #tpu.memory_space<hbm>>
      tpu.wait_dma2 semaphore(%arg11 : memref<!tpu.dma_semaphore, #tpu.memory_space<semaphore_mem>>) src(%dma_wait3A_130 : memref<1000x16xf32, #tpu.memory_space<hbm>>) dst(%dma_wait3A_128 : memref<1000x16xf32, #tpu.memory_space<vmem>>)
      %jit3A_131 = arith.constant 40 : i32
      %div3A_132 = arith.divsi %add3A_112, %jit3A_131 : i32
      %sign3A_133 = arith.constant 0 : i32
      %sign3A_134 = arith.cmpi sgt, %add3A_112, %sign3A_133 : i32
      %sign3A_135 = arith.extui %sign3A_134 : i1 to i32
      %sign3A_136 = arith.constant 0 : i32
      %sign3A_137 = arith.cmpi slt, %add3A_112, %sign3A_136 : i32
      %sign3A_138 = arith.extui %sign3A_137 : i1 to i32
      %sign3A_139 = arith.subi %sign3A_135, %sign3A_138 : i32
      %sign3A_140 = arith.constant 0 : i32
      %sign3A_141 = arith.cmpi sgt, %jit3A_131, %sign3A_140 : i32
      %sign3A_142 = arith.extui %sign3A_141 : i1 to i32
      %sign3A_143 = arith.constant 0 : i32
      %sign3A_144 = arith.cmpi slt, %jit3A_131, %sign3A_143 : i32
      %sign3A_145 = arith.extui %sign3A_144 : i1 to i32
      %sign3A_146 = arith.subi %sign3A_142, %sign3A_145 : i32
      %ne3A_147 = arith.cmpi ne, %sign3A_139, %sign3A_146 : i32
      %rem3A_148 = arith.remsi %add3A_112, %jit3A_131 : i32
      %ne3A_149 = arith.constant 0 : i32
      %ne3A_150 = arith.cmpi ne, %rem3A_148, %ne3A_149 : i32
      %and3A_151 = arith.andi %ne3A_147, %ne3A_150 : i1
      %sub3A_152 = arith.constant 1 : i32
      %sub3A_153 = arith.subi %div3A_132, %sub3A_152 : i32
      %select_n3A_154 = arith.select %and3A_151, %sub3A_153, %div3A_132 : i32
      %dma_wait3A_155 = arith.constant 0 : i32
      %dma_wait3A_156 = tpu.memref_slice %arg3[%select_n3A_154, %dma_wait3A_155] : memref<20000x40xi32, #tpu.memory_space<hbm>> -> memref<25x40xi32, #tpu.memory_space<hbm>>
      %dma_wait3A_157 = arith.constant 0 : i32
      %dma_wait3A_158 = tpu.memref_slice %arg3[%select_n3A_154, %dma_wait3A_157] : memref<20000x40xi32, #tpu.memory_space<hbm>> -> memref<25x40xi32, #tpu.memory_space<hbm>>
      tpu.wait_dma2 semaphore(%arg11 : memref<!tpu.dma_semaphore, #tpu.memory_space<semaphore_mem>>) src(%dma_wait3A_158 : memref<25x40xi32, #tpu.memory_space<hbm>>) dst(%arg6 : memref<25x40xi32, #tpu.memory_space<vmem>>)
      %scan3A_159 = arith.constant 0 : i32
      %scan3A_160 = arith.constant 0 : i32
      %scan3A_161 = arith.constant 63 : i32
      %scan3A_162 = arith.addi %scan3A_160, %scan3A_161 : i32
      %scan3A_163 = arith.constant 1 : i32
      scf.for %scan3A_709 = %scan3A_160 to %scan3A_162 step %scan3A_163  : i32 {
        %mul3A_710 = arith.constant 16 : i32
        %mul3A_711 = arith.muli %scan3A_709, %mul3A_710 : i32
        %get3A = arith.index_cast %mul3A_711 : i32 to index
        %get3A_712 = tpu.vector_load %arg7[%get3A] {strides = array<i32>} : memref<1008xf32, #tpu.memory_space<vmem>>, vector<16xf32>,
        %get3A_713 = vector.shape_cast %get3A_712 : vector<16xf32> to vector<16xf32>
        %add3A_714 = arith.constant 0 : i32
        %add3A_715 = arith.addi %mul3A_711, %add3A_714 : i32
        %slice3A = vector.extract_strided_slice %get3A_713 {offsets = [0], sizes = [1], strides = [1]} : vector<16xf32> to vector<1xf32>
        %squeeze3A = vector.extract %slice3A[0] : f32 from vector<1xf32>
        %broadcast_in_dim3A = vector.broadcast %squeeze3A : f32 to vector<16xf32>
        %swap3A = arith.index_cast %add3A_715 : i32 to index
        %swap3A_716 = arith.constant 8 : index
        %swap3A_717 = tpu.vector_load %arg9[%swap3A, %swap3A_716] {strides = array<i32>} : memref<1008x24xf32, #tpu.memory_space<vmem>>, vector<1x16xf32>,
        %swap3A_718 = vector.shape_cast %swap3A_717 : vector<1x16xf32> to vector<16xf32>
        %swap3A_719 = vector.shape_cast %broadcast_in_dim3A : vector<16xf32> to vector<1x16xf32>
        tpu.vector_store %arg9[%swap3A, %swap3A_716], %swap3A_719 {strides = array<i32>} : memref<1008x24xf32, #tpu.memory_space<vmem>>, vector<1x16xf32>,
        %get3A_720 = arith.index_cast %add3A_715 : i32 to index
        %get3A_721 = arith.constant 0 : index
        %get3A_722 = tpu.vector_load %arg8[%get3A_720, %get3A_721] {strides = array<i32>} : memref<1008x16xf32, #tpu.memory_space<vmem>>, vector<1x16xf32>,
        %get3A_723 = vector.shape_cast %get3A_722 : vector<1x16xf32> to vector<16xf32>
        %mul3A_724 = vector.broadcast %squeeze3A : f32 to vector<16xf32>
        %mul3A_725 = arith.mulf %get3A_723, %mul3A_724 : vector<16xf32>
        %swap3A_726 = arith.index_cast %add3A_715 : i32 to index
        %swap3A_727 = arith.constant 0 : index
        %swap3A_728 = tpu.vector_load %arg9[%swap3A_726, %swap3A_727] {strides = array<i32>} : memref<1008x24xf32, #tpu.memory_space<vmem>>, vector<1x16xf32>,
        %swap3A_729 = vector.shape_cast %swap3A_728 : vector<1x16xf32> to vector<16xf32>
        %swap3A_730 = vector.shape_cast %mul3A_725 : vector<16xf32> to vector<1x16xf32>
        tpu.vector_store %arg9[%swap3A_726, %swap3A_727], %swap3A_730 {strides = array<i32>} : memref<1008x24xf32, #tpu.memory_space<vmem>>, vector<1x16xf32>,
        %add3A_731 = arith.constant 1 : i32
        %add3A_732 = arith.addi %mul3A_711, %add3A_731 : i32
        %slice3A_733 = vector.extract_strided_slice %get3A_713 {offsets = [1], sizes = [1], strides = [1]} : vector<16xf32> to vector<1xf32>
        %squeeze3A_734 = vector.extract %slice3A_733[0] : f32 from vector<1xf32>
        %broadcast_in_dim3A_735 = vector.broadcast %squeeze3A_734 : f32 to vector<16xf32>
        %swap3A_736 = arith.index_cast %add3A_732 : i32 to index
        %swap3A_737 = arith.constant 8 : index
        %swap3A_738 = tpu.vector_load %arg9[%swap3A_736, %swap3A_737] {strides = array<i32>} : memref<1008x24xf32, #tpu.memory_space<vmem>>, vector<1x16xf32>,
        %swap3A_739 = vector.shape_cast %swap3A_738 : vector<1x16xf32> to vector<16xf32>
        %swap3A_740 = vector.shape_cast %broadcast_in_dim3A_735 : vector<16xf32> to vector<1x16xf32>
        tpu.vector_store %arg9[%swap3A_736, %swap3A_737], %swap3A_740 {strides = array<i32>} : memref<1008x24xf32, #tpu.memory_space<vmem>>, vector<1x16xf32>,
        %get3A_741 = arith.index_cast %add3A_732 : i32 to index
        %get3A_742 = arith.constant 0 : index
        %get3A_743 = tpu.vector_load %arg8[%get3A_741, %get3A_742] {strides = array<i32>} : memref<1008x16xf32, #tpu.memory_space<vmem>>, vector<1x16xf32>,
        %get3A_744 = vector.shape_cast %get3A_743 : vector<1x16xf32> to vector<16xf32>
        %mul3A_745 = vector.broadcast %squeeze3A_734 : f32 to vector<16xf32>
        %mul3A_746 = arith.mulf %get3A_744, %mul3A_745 : vector<16xf32>
        %swap3A_747 = arith.index_cast %add3A_732 : i32 to index
        %swap3A_748 = arith.constant 0 : index
        %swap3A_749 = tpu.vector_load %arg9[%swap3A_747, %swap3A_748] {strides = array<i32>} : memref<1008x24xf32, #tpu.memory_space<vmem>>, vector<1x16xf32>,
        %swap3A_750 = vector.shape_cast %swap3A_749 : vector<1x16xf32> to vector<16xf32>
        %swap3A_751 = vector.shape_cast %mul3A_746 : vector<16xf32> to vector<1x16xf32>
        tpu.vector_store %arg9[%swap3A_747, %swap3A_748], %swap3A_751 {strides = array<i32>} : memref<1008x24xf32, #tpu.memory_space<vmem>>, vector<1x16xf32>,
        %add3A_752 = arith.constant 2 : i32
        %add3A_753 = arith.addi %mul3A_711, %add3A_752 : i32
        %slice3A_754 = vector.extract_strided_slice %get3A_713 {offsets = [2], sizes = [1], strides = [1]} : vector<16xf32> to vector<1xf32>
        %squeeze3A_755 = vector.extract %slice3A_754[0] : f32 from vector<1xf32>
        %broadcast_in_dim3A_756 = vector.broadcast %squeeze3A_755 : f32 to vector<16xf32>
        %swap3A_757 = arith.index_cast %add3A_753 : i32 to index
        %swap3A_758 = arith.constant 8 : index
        %swap3A_759 = tpu.vector_load %arg9[%swap3A_757, %swap3A_758] {strides = array<i32>} : memref<1008x24xf32, #tpu.memory_space<vmem>>, vector<1x16xf32>,
        %swap3A_760 = vector.shape_cast %swap3A_759 : vector<1x16xf32> to vector<16xf32>
        %swap3A_761 = vector.shape_cast %broadcast_in_dim3A_756 : vector<16xf32> to vector<1x16xf32>
        tpu.vector_store %arg9[%swap3A_757, %swap3A_758], %swap3A_761 {strides = array<i32>} : memref<1008x24xf32, #tpu.memory_space<vmem>>, vector<1x16xf32>,
        %get3A_762 = arith.index_cast %add3A_753 : i32 to index
        %get3A_763 = arith.constant 0 : index
        %get3A_764 = tpu.vector_load %arg8[%get3A_762, %get3A_763] {strides = array<i32>} : memref<1008x16xf32, #tpu.memory_space<vmem>>, vector<1x16xf32>,
        %get3A_765 = vector.shape_cast %get3A_764 : vector<1x16xf32> to vector<16xf32>
        %mul3A_766 = vector.broadcast %squeeze3A_755 : f32 to vector<16xf32>
        %mul3A_767 = arith.mulf %get3A_765, %mul3A_766 : vector<16xf32>
        %swap3A_768 = arith.index_cast %add3A_753 : i32 to index
        %swap3A_769 = arith.constant 0 : index
        %swap3A_770 = tpu.vector_load %arg9[%swap3A_768, %swap3A_769] {strides = array<i32>} : memref<1008x24xf32, #tpu.memory_space<vmem>>, vector<1x16xf32>,
        %swap3A_771 = vector.shape_cast %swap3A_770 : vector<1x16xf32> to vector<16xf32>
        %swap3A_772 = vector.shape_cast %mul3A_767 : vector<16xf32> to vector<1x16xf32>
        tpu.vector_store %arg9[%swap3A_768, %swap3A_769], %swap3A_772 {strides = array<i32>} : memref<1008x24xf32, #tpu.memory_space<vmem>>, vector<1x16xf32>,
        %add3A_773 = arith.constant 3 : i32
        %add3A_774 = arith.addi %mul3A_711, %add3A_773 : i32
        %slice3A_775 = vector.extract_strided_slice %get3A_713 {offsets = [3], sizes = [1], strides = [1]} : vector<16xf32> to vector<1xf32>
        %squeeze3A_776 = vector.extract %slice3A_775[0] : f32 from vector<1xf32>
        %broadcast_in_dim3A_777 = vector.broadcast %squeeze3A_776 : f32 to vector<16xf32>
        %swap3A_778 = arith.index_cast %add3A_774 : i32 to index
        %swap3A_779 = arith.constant 8 : index
        %swap3A_780 = tpu.vector_load %arg9[%swap3A_778, %swap3A_779] {strides = array<i32>} : memref<1008x24xf32, #tpu.memory_space<vmem>>, vector<1x16xf32>,
        %swap3A_781 = vector.shape_cast %swap3A_780 : vector<1x16xf32> to vector<16xf32>
        %swap3A_782 = vector.shape_cast %broadcast_in_dim3A_777 : vector<16xf32> to vector<1x16xf32>
        tpu.vector_store %arg9[%swap3A_778, %swap3A_779], %swap3A_782 {strides = array<i32>} : memref<1008x24xf32, #tpu.memory_space<vmem>>, vector<1x16xf32>,
        %get3A_783 = arith.index_cast %add3A_774 : i32 to index
        %get3A_784 = arith.constant 0 : index
        %get3A_785 = tpu.vector_load %arg8[%get3A_783, %get3A_784] {strides = array<i32>} : memref<1008x16xf32, #tpu.memory_space<vmem>>, vector<1x16xf32>,
        %get3A_786 = vector.shape_cast %get3A_785 : vector<1x16xf32> to vector<16xf32>
        %mul3A_787 = vector.broadcast %squeeze3A_776 : f32 to vector<16xf32>
        %mul3A_788 = arith.mulf %get3A_786, %mul3A_787 : vector<16xf32>
        %swap3A_789 = arith.index_cast %add3A_774 : i32 to index
        %swap3A_790 = arith.constant 0 : index
        %swap3A_791 = tpu.vector_load %arg9[%swap3A_789, %swap3A_790] {strides = array<i32>} : memref<1008x24xf32, #tpu.memory_space<vmem>>, vector<1x16xf32>,
        %swap3A_792 = vector.shape_cast %swap3A_791 : vector<1x16xf32> to vector<16xf32>
        %swap3A_793 = vector.shape_cast %mul3A_788 : vector<16xf32> to vector<1x16xf32>
        tpu.vector_store %arg9[%swap3A_789, %swap3A_790], %swap3A_793 {strides = array<i32>} : memref<1008x24xf32, #tpu.memory_space<vmem>>, vector<1x16xf32>,
        %add3A_794 = arith.constant 4 : i32
        %add3A_795 = arith.addi %mul3A_711, %add3A_794 : i32
        %slice3A_796 = vector.extract_strided_slice %get3A_713 {offsets = [4], sizes = [1], strides = [1]} : vector<16xf32> to vector<1xf32>
        %squeeze3A_797 = vector.extract %slice3A_796[0] : f32 from vector<1xf32>
        %broadcast_in_dim3A_798 = vector.broadcast %squeeze3A_797 : f32 to vector<16xf32>
        %swap3A_799 = arith.index_cast %add3A_795 : i32 to index
        %swap3A_800 = arith.constant 8 : index
        %swap3A_801 = tpu.vector_load %arg9[%swap3A_799, %swap3A_800] {strides = array<i32>} : memref<1008x24xf32, #tpu.memory_space<vmem>>, vector<1x16xf32>,
        %swap3A_802 = vector.shape_cast %swap3A_801 : vector<1x16xf32> to vector<16xf32>
        %swap3A_803 = vector.shape_cast %broadcast_in_dim3A_798 : vector<16xf32> to vector<1x16xf32>
        tpu.vector_store %arg9[%swap3A_799, %swap3A_800], %swap3A_803 {strides = array<i32>} : memref<1008x24xf32, #tpu.memory_space<vmem>>, vector<1x16xf32>,
        %get3A_804 = arith.index_cast %add3A_795 : i32 to index
        %get3A_805 = arith.constant 0 : index
        %get3A_806 = tpu.vector_load %arg8[%get3A_804, %get3A_805] {strides = array<i32>} : memref<1008x16xf32, #tpu.memory_space<vmem>>, vector<1x16xf32>,
        %get3A_807 = vector.shape_cast %get3A_806 : vector<1x16xf32> to vector<16xf32>
        %mul3A_808 = vector.broadcast %squeeze3A_797 : f32 to vector<16xf32>
        %mul3A_809 = arith.mulf %get3A_807, %mul3A_808 : vector<16xf32>
        %swap3A_810 = arith.index_cast %add3A_795 : i32 to index
        %swap3A_811 = arith.constant 0 : index
        %swap3A_812 = tpu.vector_load %arg9[%swap3A_810, %swap3A_811] {strides = array<i32>} : memref<1008x24xf32, #tpu.memory_space<vmem>>, vector<1x16xf32>,
        %swap3A_813 = vector.shape_cast %swap3A_812 : vector<1x16xf32> to vector<16xf32>
        %swap3A_814 = vector.shape_cast %mul3A_809 : vector<16xf32> to vector<1x16xf32>
        tpu.vector_store %arg9[%swap3A_810, %swap3A_811], %swap3A_814 {strides = array<i32>} : memref<1008x24xf32, #tpu.memory_space<vmem>>, vector<1x16xf32>,
        %add3A_815 = arith.constant 5 : i32
        %add3A_816 = arith.addi %mul3A_711, %add3A_815 : i32
        %slice3A_817 = vector.extract_strided_slice %get3A_713 {offsets = [5], sizes = [1], strides = [1]} : vector<16xf32> to vector<1xf32>
        %squeeze3A_818 = vector.extract %slice3A_817[0] : f32 from vector<1xf32>
        %broadcast_in_dim3A_819 = vector.broadcast %squeeze3A_818 : f32 to vector<16xf32>
        %swap3A_820 = arith.index_cast %add3A_816 : i32 to index
        %swap3A_821 = arith.constant 8 : index
        %swap3A_822 = tpu.vector_load %arg9[%swap3A_820, %swap3A_821] {strides = array<i32>} : memref<1008x24xf32, #tpu.memory_space<vmem>>, vector<1x16xf32>,
        %swap3A_823 = vector.shape_cast %swap3A_822 : vector<1x16xf32> to vector<16xf32>
        %swap3A_824 = vector.shape_cast %broadcast_in_dim3A_819 : vector<16xf32> to vector<1x16xf32>
        tpu.vector_store %arg9[%swap3A_820, %swap3A_821], %swap3A_824 {strides = array<i32>} : memref<1008x24xf32, #tpu.memory_space<vmem>>, vector<1x16xf32>,
        %get3A_825 = arith.index_cast %add3A_816 : i32 to index
        %get3A_826 = arith.constant 0 : index
        %get3A_827 = tpu.vector_load %arg8[%get3A_825, %get3A_826] {strides = array<i32>} : memref<1008x16xf32, #tpu.memory_space<vmem>>, vector<1x16xf32>,
        %get3A_828 = vector.shape_cast %get3A_827 : vector<1x16xf32> to vector<16xf32>
        %mul3A_829 = vector.broadcast %squeeze3A_818 : f32 to vector<16xf32>
        %mul3A_830 = arith.mulf %get3A_828, %mul3A_829 : vector<16xf32>
        %swap3A_831 = arith.index_cast %add3A_816 : i32 to index
        %swap3A_832 = arith.constant 0 : index
        %swap3A_833 = tpu.vector_load %arg9[%swap3A_831, %swap3A_832] {strides = array<i32>} : memref<1008x24xf32, #tpu.memory_space<vmem>>, vector<1x16xf32>,
        %swap3A_834 = vector.shape_cast %swap3A_833 : vector<1x16xf32> to vector<16xf32>
        %swap3A_835 = vector.shape_cast %mul3A_830 : vector<16xf32> to vector<1x16xf32>
        tpu.vector_store %arg9[%swap3A_831, %swap3A_832], %swap3A_835 {strides = array<i32>} : memref<1008x24xf32, #tpu.memory_space<vmem>>, vector<1x16xf32>,
        %add3A_836 = arith.constant 6 : i32
        %add3A_837 = arith.addi %mul3A_711, %add3A_836 : i32
        %slice3A_838 = vector.extract_strided_slice %get3A_713 {offsets = [6], sizes = [1], strides = [1]} : vector<16xf32> to vector<1xf32>
        %squeeze3A_839 = vector.extract %slice3A_838[0] : f32 from vector<1xf32>
        %broadcast_in_dim3A_840 = vector.broadcast %squeeze3A_839 : f32 to vector<16xf32>
        %swap3A_841 = arith.index_cast %add3A_837 : i32 to index
        %swap3A_842 = arith.constant 8 : index
        %swap3A_843 = tpu.vector_load %arg9[%swap3A_841, %swap3A_842] {strides = array<i32>} : memref<1008x24xf32, #tpu.memory_space<vmem>>, vector<1x16xf32>,
        %swap3A_844 = vector.shape_cast %swap3A_843 : vector<1x16xf32> to vector<16xf32>
        %swap3A_845 = vector.shape_cast %broadcast_in_dim3A_840 : vector<16xf32> to vector<1x16xf32>
        tpu.vector_store %arg9[%swap3A_841, %swap3A_842], %swap3A_845 {strides = array<i32>} : memref<1008x24xf32, #tpu.memory_space<vmem>>, vector<1x16xf32>,
        %get3A_846 = arith.index_cast %add3A_837 : i32 to index
        %get3A_847 = arith.constant 0 : index
        %get3A_848 = tpu.vector_load %arg8[%get3A_846, %get3A_847] {strides = array<i32>} : memref<1008x16xf32, #tpu.memory_space<vmem>>, vector<1x16xf32>,
        %get3A_849 = vector.shape_cast %get3A_848 : vector<1x16xf32> to vector<16xf32>
        %mul3A_850 = vector.broadcast %squeeze3A_839 : f32 to vector<16xf32>
        %mul3A_851 = arith.mulf %get3A_849, %mul3A_850 : vector<16xf32>
        %swap3A_852 = arith.index_cast %add3A_837 : i32 to index
        %swap3A_853 = arith.constant 0 : index
        %swap3A_854 = tpu.vector_load %arg9[%swap3A_852, %swap3A_853] {strides = array<i32>} : memref<1008x24xf32, #tpu.memory_space<vmem>>, vector<1x16xf32>,
        %swap3A_855 = vector.shape_cast %swap3A_854 : vector<1x16xf32> to vector<16xf32>
        %swap3A_856 = vector.shape_cast %mul3A_851 : vector<16xf32> to vector<1x16xf32>
        tpu.vector_store %arg9[%swap3A_852, %swap3A_853], %swap3A_856 {strides = array<i32>} : memref<1008x24xf32, #tpu.memory_space<vmem>>, vector<1x16xf32>,
        %add3A_857 = arith.constant 7 : i32
        %add3A_858 = arith.addi %mul3A_711, %add3A_857 : i32
        %slice3A_859 = vector.extract_strided_slice %get3A_713 {offsets = [7], sizes = [1], strides = [1]} : vector<16xf32> to vector<1xf32>
        %squeeze3A_860 = vector.extract %slice3A_859[0] : f32 from vector<1xf32>
        %broadcast_in_dim3A_861 = vector.broadcast %squeeze3A_860 : f32 to vector<16xf32>
        %swap3A_862 = arith.index_cast %add3A_858 : i32 to index
        %swap3A_863 = arith.constant 8 : index
        %swap3A_864 = tpu.vector_load %arg9[%swap3A_862, %swap3A_863] {strides = array<i32>} : memref<1008x24xf32, #tpu.memory_space<vmem>>, vector<1x16xf32>,
        %swap3A_865 = vector.shape_cast %swap3A_864 : vector<1x16xf32> to vector<16xf32>
        %swap3A_866 = vector.shape_cast %broadcast_in_dim3A_861 : vector<16xf32> to vector<1x16xf32>
        tpu.vector_store %arg9[%swap3A_862, %swap3A_863], %swap3A_866 {strides = array<i32>} : memref<1008x24xf32, #tpu.memory_space<vmem>>, vector<1x16xf32>,
        %get3A_867 = arith.index_cast %add3A_858 : i32 to index
        %get3A_868 = arith.constant 0 : index
        %get3A_869 = tpu.vector_load %arg8[%get3A_867, %get3A_868] {strides = array<i32>} : memref<1008x16xf32, #tpu.memory_space<vmem>>, vector<1x16xf32>,
        %get3A_870 = vector.shape_cast %get3A_869 : vector<1x16xf32> to vector<16xf32>
        %mul3A_871 = vector.broadcast %squeeze3A_860 : f32 to vector<16xf32>
        %mul3A_872 = arith.mulf %get3A_870, %mul3A_871 : vector<16xf32>
        %swap3A_873 = arith.index_cast %add3A_858 : i32 to index
        %swap3A_874 = arith.constant 0 : index
        %swap3A_875 = tpu.vector_load %arg9[%swap3A_873, %swap3A_874] {strides = array<i32>} : memref<1008x24xf32, #tpu.memory_space<vmem>>, vector<1x16xf32>,
        %swap3A_876 = vector.shape_cast %swap3A_875 : vector<1x16xf32> to vector<16xf32>
        %swap3A_877 = vector.shape_cast %mul3A_872 : vector<16xf32> to vector<1x16xf32>
        tpu.vector_store %arg9[%swap3A_873, %swap3A_874], %swap3A_877 {strides = array<i32>} : memref<1008x24xf32, #tpu.memory_space<vmem>>, vector<1x16xf32>,
        %add3A_878 = arith.constant 8 : i32
        %add3A_879 = arith.addi %mul3A_711, %add3A_878 : i32
        %slice3A_880 = vector.extract_strided_slice %get3A_713 {offsets = [8], sizes = [1], strides = [1]} : vector<16xf32> to vector<1xf32>
        %squeeze3A_881 = vector.extract %slice3A_880[0] : f32 from vector<1xf32>
        %broadcast_in_dim3A_882 = vector.broadcast %squeeze3A_881 : f32 to vector<16xf32>
        %swap3A_883 = arith.index_cast %add3A_879 : i32 to index
        %swap3A_884 = arith.constant 8 : index
        %swap3A_885 = tpu.vector_load %arg9[%swap3A_883, %swap3A_884] {strides = array<i32>} : memref<1008x24xf32, #tpu.memory_space<vmem>>, vector<1x16xf32>,
        %swap3A_886 = vector.shape_cast %swap3A_885 : vector<1x16xf32> to vector<16xf32>
        %swap3A_887 = vector.shape_cast %broadcast_in_dim3A_882 : vector<16xf32> to vector<1x16xf32>
        tpu.vector_store %arg9[%swap3A_883, %swap3A_884], %swap3A_887 {strides = array<i32>} : memref<1008x24xf32, #tpu.memory_space<vmem>>, vector<1x16xf32>,
        %get3A_888 = arith.index_cast %add3A_879 : i32 to index
        %get3A_889 = arith.constant 0 : index
        %get3A_890 = tpu.vector_load %arg8[%get3A_888, %get3A_889] {strides = array<i32>} : memref<1008x16xf32, #tpu.memory_space<vmem>>, vector<1x16xf32>,
        %get3A_891 = vector.shape_cast %get3A_890 : vector<1x16xf32> to vector<16xf32>
        %mul3A_892 = vector.broadcast %squeeze3A_881 : f32 to vector<16xf32>
        %mul3A_893 = arith.mulf %get3A_891, %mul3A_892 : vector<16xf32>
        %swap3A_894 = arith.index_cast %add3A_879 : i32 to index
        %swap3A_895 = arith.constant 0 : index
        %swap3A_896 = tpu.vector_load %arg9[%swap3A_894, %swap3A_895] {strides = array<i32>} : memref<1008x24xf32, #tpu.memory_space<vmem>>, vector<1x16xf32>,
        %swap3A_897 = vector.shape_cast %swap3A_896 : vector<1x16xf32> to vector<16xf32>
        %swap3A_898 = vector.shape_cast %mul3A_893 : vector<16xf32> to vector<1x16xf32>
        tpu.vector_store %arg9[%swap3A_894, %swap3A_895], %swap3A_898 {strides = array<i32>} : memref<1008x24xf32, #tpu.memory_space<vmem>>, vector<1x16xf32>,
        %add3A_899 = arith.constant 9 : i32
        %add3A_900 = arith.addi %mul3A_711, %add3A_899 : i32
        %slice3A_901 = vector.extract_strided_slice %get3A_713 {offsets = [9], sizes = [1], strides = [1]} : vector<16xf32> to vector<1xf32>
        %squeeze3A_902 = vector.extract %slice3A_901[0] : f32 from vector<1xf32>
        %broadcast_in_dim3A_903 = vector.broadcast %squeeze3A_902 : f32 to vector<16xf32>
        %swap3A_904 = arith.index_cast %add3A_900 : i32 to index
        %swap3A_905 = arith.constant 8 : index
        %swap3A_906 = tpu.vector_load %arg9[%swap3A_904, %swap3A_905] {strides = array<i32>} : memref<1008x24xf32, #tpu.memory_space<vmem>>, vector<1x16xf32>,
        %swap3A_907 = vector.shape_cast %swap3A_906 : vector<1x16xf32> to vector<16xf32>
        %swap3A_908 = vector.shape_cast %broadcast_in_dim3A_903 : vector<16xf32> to vector<1x16xf32>
        tpu.vector_store %arg9[%swap3A_904, %swap3A_905], %swap3A_908 {strides = array<i32>} : memref<1008x24xf32, #tpu.memory_space<vmem>>, vector<1x16xf32>,
        %get3A_909 = arith.index_cast %add3A_900 : i32 to index
        %get3A_910 = arith.constant 0 : index
        %get3A_911 = tpu.vector_load %arg8[%get3A_909, %get3A_910] {strides = array<i32>} : memref<1008x16xf32, #tpu.memory_space<vmem>>, vector<1x16xf32>,
        %get3A_912 = vector.shape_cast %get3A_911 : vector<1x16xf32> to vector<16xf32>
        %mul3A_913 = vector.broadcast %squeeze3A_902 : f32 to vector<16xf32>
        %mul3A_914 = arith.mulf %get3A_912, %mul3A_913 : vector<16xf32>
        %swap3A_915 = arith.index_cast %add3A_900 : i32 to index
        %swap3A_916 = arith.constant 0 : index
        %swap3A_917 = tpu.vector_load %arg9[%swap3A_915, %swap3A_916] {strides = array<i32>} : memref<1008x24xf32, #tpu.memory_space<vmem>>, vector<1x16xf32>,
        %swap3A_918 = vector.shape_cast %swap3A_917 : vector<1x16xf32> to vector<16xf32>
        %swap3A_919 = vector.shape_cast %mul3A_914 : vector<16xf32> to vector<1x16xf32>
        tpu.vector_store %arg9[%swap3A_915, %swap3A_916], %swap3A_919 {strides = array<i32>} : memref<1008x24xf32, #tpu.memory_space<vmem>>, vector<1x16xf32>,
        %add3A_920 = arith.constant 10 : i32
        %add3A_921 = arith.addi %mul3A_711, %add3A_920 : i32
        %slice3A_922 = vector.extract_strided_slice %get3A_713 {offsets = [10], sizes = [1], strides = [1]} : vector<16xf32> to vector<1xf32>
        %squeeze3A_923 = vector.extract %slice3A_922[0] : f32 from vector<1xf32>
        %broadcast_in_dim3A_924 = vector.broadcast %squeeze3A_923 : f32 to vector<16xf32>
        %swap3A_925 = arith.index_cast %add3A_921 : i32 to index
        %swap3A_926 = arith.constant 8 : index
        %swap3A_927 = tpu.vector_load %arg9[%swap3A_925, %swap3A_926] {strides = array<i32>} : memref<1008x24xf32, #tpu.memory_space<vmem>>, vector<1x16xf32>,
        %swap3A_928 = vector.shape_cast %swap3A_927 : vector<1x16xf32> to vector<16xf32>
        %swap3A_929 = vector.shape_cast %broadcast_in_dim3A_924 : vector<16xf32> to vector<1x16xf32>
        tpu.vector_store %arg9[%swap3A_925, %swap3A_926], %swap3A_929 {strides = array<i32>} : memref<1008x24xf32, #tpu.memory_space<vmem>>, vector<1x16xf32>,
        %get3A_930 = arith.index_cast %add3A_921 : i32 to index
        %get3A_931 = arith.constant 0 : index
        %get3A_932 = tpu.vector_load %arg8[%get3A_930, %get3A_931] {strides = array<i32>} : memref<1008x16xf32, #tpu.memory_space<vmem>>, vector<1x16xf32>,
        %get3A_933 = vector.shape_cast %get3A_932 : vector<1x16xf32> to vector<16xf32>
        %mul3A_934 = vector.broadcast %squeeze3A_923 : f32 to vector<16xf32>
        %mul3A_935 = arith.mulf %get3A_933, %mul3A_934 : vector<16xf32>
        %swap3A_936 = arith.index_cast %add3A_921 : i32 to index
        %swap3A_937 = arith.constant 0 : index
        %swap3A_938 = tpu.vector_load %arg9[%swap3A_936, %swap3A_937] {strides = array<i32>} : memref<1008x24xf32, #tpu.memory_space<vmem>>, vector<1x16xf32>,
        %swap3A_939 = vector.shape_cast %swap3A_938 : vector<1x16xf32> to vector<16xf32>
        %swap3A_940 = vector.shape_cast %mul3A_935 : vector<16xf32> to vector<1x16xf32>
        tpu.vector_store %arg9[%swap3A_936, %swap3A_937], %swap3A_940 {strides = array<i32>} : memref<1008x24xf32, #tpu.memory_space<vmem>>, vector<1x16xf32>,
        %add3A_941 = arith.constant 11 : i32
        %add3A_942 = arith.addi %mul3A_711, %add3A_941 : i32
        %slice3A_943 = vector.extract_strided_slice %get3A_713 {offsets = [11], sizes = [1], strides = [1]} : vector<16xf32> to vector<1xf32>
        %squeeze3A_944 = vector.extract %slice3A_943[0] : f32 from vector<1xf32>
        %broadcast_in_dim3A_945 = vector.broadcast %squeeze3A_944 : f32 to vector<16xf32>
        %swap3A_946 = arith.index_cast %add3A_942 : i32 to index
        %swap3A_947 = arith.constant 8 : index
        %swap3A_948 = tpu.vector_load %arg9[%swap3A_946, %swap3A_947] {strides = array<i32>} : memref<1008x24xf32, #tpu.memory_space<vmem>>, vector<1x16xf32>,
        %swap3A_949 = vector.shape_cast %swap3A_948 : vector<1x16xf32> to vector<16xf32>
        %swap3A_950 = vector.shape_cast %broadcast_in_dim3A_945 : vector<16xf32> to vector<1x16xf32>
        tpu.vector_store %arg9[%swap3A_946, %swap3A_947], %swap3A_950 {strides = array<i32>} : memref<1008x24xf32, #tpu.memory_space<vmem>>, vector<1x16xf32>,
        %get3A_951 = arith.index_cast %add3A_942 : i32 to index
        %get3A_952 = arith.constant 0 : index
        %get3A_953 = tpu.vector_load %arg8[%get3A_951, %get3A_952] {strides = array<i32>} : memref<1008x16xf32, #tpu.memory_space<vmem>>, vector<1x16xf32>,
        %get3A_954 = vector.shape_cast %get3A_953 : vector<1x16xf32> to vector<16xf32>
        %mul3A_955 = vector.broadcast %squeeze3A_944 : f32 to vector<16xf32>
        %mul3A_956 = arith.mulf %get3A_954, %mul3A_955 : vector<16xf32>
        %swap3A_957 = arith.index_cast %add3A_942 : i32 to index
        %swap3A_958 = arith.constant 0 : index
        %swap3A_959 = tpu.vector_load %arg9[%swap3A_957, %swap3A_958] {strides = array<i32>} : memref<1008x24xf32, #tpu.memory_space<vmem>>, vector<1x16xf32>,
        %swap3A_960 = vector.shape_cast %swap3A_959 : vector<1x16xf32> to vector<16xf32>
        %swap3A_961 = vector.shape_cast %mul3A_956 : vector<16xf32> to vector<1x16xf32>
        tpu.vector_store %arg9[%swap3A_957, %swap3A_958], %swap3A_961 {strides = array<i32>} : memref<1008x24xf32, #tpu.memory_space<vmem>>, vector<1x16xf32>,
        %add3A_962 = arith.constant 12 : i32
        %add3A_963 = arith.addi %mul3A_711, %add3A_962 : i32
        %slice3A_964 = vector.extract_strided_slice %get3A_713 {offsets = [12], sizes = [1], strides = [1]} : vector<16xf32> to vector<1xf32>
        %squeeze3A_965 = vector.extract %slice3A_964[0] : f32 from vector<1xf32>
        %broadcast_in_dim3A_966 = vector.broadcast %squeeze3A_965 : f32 to vector<16xf32>
        %swap3A_967 = arith.index_cast %add3A_963 : i32 to index
        %swap3A_968 = arith.constant 8 : index
        %swap3A_969 = tpu.vector_load %arg9[%swap3A_967, %swap3A_968] {strides = array<i32>} : memref<1008x24xf32, #tpu.memory_space<vmem>>, vector<1x16xf32>,
        %swap3A_970 = vector.shape_cast %swap3A_969 : vector<1x16xf32> to vector<16xf32>
        %swap3A_971 = vector.shape_cast %broadcast_in_dim3A_966 : vector<16xf32> to vector<1x16xf32>
        tpu.vector_store %arg9[%swap3A_967, %swap3A_968], %swap3A_971 {strides = array<i32>} : memref<1008x24xf32, #tpu.memory_space<vmem>>, vector<1x16xf32>,
        %get3A_972 = arith.index_cast %add3A_963 : i32 to index
        %get3A_973 = arith.constant 0 : index
        %get3A_974 = tpu.vector_load %arg8[%get3A_972, %get3A_973] {strides = array<i32>} : memref<1008x16xf32, #tpu.memory_space<vmem>>, vector<1x16xf32>,
        %get3A_975 = vector.shape_cast %get3A_974 : vector<1x16xf32> to vector<16xf32>
        %mul3A_976 = vector.broadcast %squeeze3A_965 : f32 to vector<16xf32>
        %mul3A_977 = arith.mulf %get3A_975, %mul3A_976 : vector<16xf32>
        %swap3A_978 = arith.index_cast %add3A_963 : i32 to index
        %swap3A_979 = arith.constant 0 : index
        %swap3A_980 = tpu.vector_load %arg9[%swap3A_978, %swap3A_979] {strides = array<i32>} : memref<1008x24xf32, #tpu.memory_space<vmem>>, vector<1x16xf32>,
        %swap3A_981 = vector.shape_cast %swap3A_980 : vector<1x16xf32> to vector<16xf32>
        %swap3A_982 = vector.shape_cast %mul3A_977 : vector<16xf32> to vector<1x16xf32>
        tpu.vector_store %arg9[%swap3A_978, %swap3A_979], %swap3A_982 {strides = array<i32>} : memref<1008x24xf32, #tpu.memory_space<vmem>>, vector<1x16xf32>,
        %add3A_983 = arith.constant 13 : i32
        %add3A_984 = arith.addi %mul3A_711, %add3A_983 : i32
        %slice3A_985 = vector.extract_strided_slice %get3A_713 {offsets = [13], sizes = [1], strides = [1]} : vector<16xf32> to vector<1xf32>
        %squeeze3A_986 = vector.extract %slice3A_985[0] : f32 from vector<1xf32>
        %broadcast_in_dim3A_987 = vector.broadcast %squeeze3A_986 : f32 to vector<16xf32>
        %swap3A_988 = arith.index_cast %add3A_984 : i32 to index
        %swap3A_989 = arith.constant 8 : index
        %swap3A_990 = tpu.vector_load %arg9[%swap3A_988, %swap3A_989] {strides = array<i32>} : memref<1008x24xf32, #tpu.memory_space<vmem>>, vector<1x16xf32>,
        %swap3A_991 = vector.shape_cast %swap3A_990 : vector<1x16xf32> to vector<16xf32>
        %swap3A_992 = vector.shape_cast %broadcast_in_dim3A_987 : vector<16xf32> to vector<1x16xf32>
        tpu.vector_store %arg9[%swap3A_988, %swap3A_989], %swap3A_992 {strides = array<i32>} : memref<1008x24xf32, #tpu.memory_space<vmem>>, vector<1x16xf32>,
        %get3A_993 = arith.index_cast %add3A_984 : i32 to index
        %get3A_994 = arith.constant 0 : index
        %get3A_995 = tpu.vector_load %arg8[%get3A_993, %get3A_994] {strides = array<i32>} : memref<1008x16xf32, #tpu.memory_space<vmem>>, vector<1x16xf32>,
        %get3A_996 = vector.shape_cast %get3A_995 : vector<1x16xf32> to vector<16xf32>
        %mul3A_997 = vector.broadcast %squeeze3A_986 : f32 to vector<16xf32>
        %mul3A_998 = arith.mulf %get3A_996, %mul3A_997 : vector<16xf32>
        %swap3A_999 = arith.index_cast %add3A_984 : i32 to index
        %swap3A_1000 = arith.constant 0 : index
        %swap3A_1001 = tpu.vector_load %arg9[%swap3A_999, %swap3A_1000] {strides = array<i32>} : memref<1008x24xf32, #tpu.memory_space<vmem>>, vector<1x16xf32>,
        %swap3A_1002 = vector.shape_cast %swap3A_1001 : vector<1x16xf32> to vector<16xf32>
        %swap3A_1003 = vector.shape_cast %mul3A_998 : vector<16xf32> to vector<1x16xf32>
        tpu.vector_store %arg9[%swap3A_999, %swap3A_1000], %swap3A_1003 {strides = array<i32>} : memref<1008x24xf32, #tpu.memory_space<vmem>>, vector<1x16xf32>,
        %add3A_1004 = arith.constant 14 : i32
        %add3A_1005 = arith.addi %mul3A_711, %add3A_1004 : i32
        %slice3A_1006 = vector.extract_strided_slice %get3A_713 {offsets = [14], sizes = [1], strides = [1]} : vector<16xf32> to vector<1xf32>
        %squeeze3A_1007 = vector.extract %slice3A_1006[0] : f32 from vector<1xf32>
        %broadcast_in_dim3A_1008 = vector.broadcast %squeeze3A_1007 : f32 to vector<16xf32>
        %swap3A_1009 = arith.index_cast %add3A_1005 : i32 to index
        %swap3A_1010 = arith.constant 8 : index
        %swap3A_1011 = tpu.vector_load %arg9[%swap3A_1009, %swap3A_1010] {strides = array<i32>} : memref<1008x24xf32, #tpu.memory_space<vmem>>, vector<1x16xf32>,
        %swap3A_1012 = vector.shape_cast %swap3A_1011 : vector<1x16xf32> to vector<16xf32>
        %swap3A_1013 = vector.shape_cast %broadcast_in_dim3A_1008 : vector<16xf32> to vector<1x16xf32>
        tpu.vector_store %arg9[%swap3A_1009, %swap3A_1010], %swap3A_1013 {strides = array<i32>} : memref<1008x24xf32, #tpu.memory_space<vmem>>, vector<1x16xf32>,
        %get3A_1014 = arith.index_cast %add3A_1005 : i32 to index
        %get3A_1015 = arith.constant 0 : index
        %get3A_1016 = tpu.vector_load %arg8[%get3A_1014, %get3A_1015] {strides = array<i32>} : memref<1008x16xf32, #tpu.memory_space<vmem>>, vector<1x16xf32>,
        %get3A_1017 = vector.shape_cast %get3A_1016 : vector<1x16xf32> to vector<16xf32>
        %mul3A_1018 = vector.broadcast %squeeze3A_1007 : f32 to vector<16xf32>
        %mul3A_1019 = arith.mulf %get3A_1017, %mul3A_1018 : vector<16xf32>
        %swap3A_1020 = arith.index_cast %add3A_1005 : i32 to index
        %swap3A_1021 = arith.constant 0 : index
        %swap3A_1022 = tpu.vector_load %arg9[%swap3A_1020, %swap3A_1021] {strides = array<i32>} : memref<1008x24xf32, #tpu.memory_space<vmem>>, vector<1x16xf32>,
        %swap3A_1023 = vector.shape_cast %swap3A_1022 : vector<1x16xf32> to vector<16xf32>
        %swap3A_1024 = vector.shape_cast %mul3A_1019 : vector<16xf32> to vector<1x16xf32>
        tpu.vector_store %arg9[%swap3A_1020, %swap3A_1021], %swap3A_1024 {strides = array<i32>} : memref<1008x24xf32, #tpu.memory_space<vmem>>, vector<1x16xf32>,
        %add3A_1025 = arith.constant 15 : i32
        %add3A_1026 = arith.addi %mul3A_711, %add3A_1025 : i32
        %slice3A_1027 = vector.extract_strided_slice %get3A_713 {offsets = [15], sizes = [1], strides = [1]} : vector<16xf32> to vector<1xf32>
        %squeeze3A_1028 = vector.extract %slice3A_1027[0] : f32 from vector<1xf32>
        %broadcast_in_dim3A_1029 = vector.broadcast %squeeze3A_1028 : f32 to vector<16xf32>
        %swap3A_1030 = arith.index_cast %add3A_1026 : i32 to index
        %swap3A_1031 = arith.constant 8 : index
        %swap3A_1032 = tpu.vector_load %arg9[%swap3A_1030, %swap3A_1031] {strides = array<i32>} : memref<1008x24xf32, #tpu.memory_space<vmem>>, vector<1x16xf32>,
        %swap3A_1033 = vector.shape_cast %swap3A_1032 : vector<1x16xf32> to vector<16xf32>
        %swap3A_1034 = vector.shape_cast %broadcast_in_dim3A_1029 : vector<16xf32> to vector<1x16xf32>
        tpu.vector_store %arg9[%swap3A_1030, %swap3A_1031], %swap3A_1034 {strides = array<i32>} : memref<1008x24xf32, #tpu.memory_space<vmem>>, vector<1x16xf32>,
        %get3A_1035 = arith.index_cast %add3A_1026 : i32 to index
        %get3A_1036 = arith.constant 0 : index
        %get3A_1037 = tpu.vector_load %arg8[%get3A_1035, %get3A_1036] {strides = array<i32>} : memref<1008x16xf32, #tpu.memory_space<vmem>>, vector<1x16xf32>,
        %get3A_1038 = vector.shape_cast %get3A_1037 : vector<1x16xf32> to vector<16xf32>
        %mul3A_1039 = vector.broadcast %squeeze3A_1028 : f32 to vector<16xf32>
        %mul3A_1040 = arith.mulf %get3A_1038, %mul3A_1039 : vector<16xf32>
        %swap3A_1041 = arith.index_cast %add3A_1026 : i32 to index
        %swap3A_1042 = arith.constant 0 : index
        %swap3A_1043 = tpu.vector_load %arg9[%swap3A_1041, %swap3A_1042] {strides = array<i32>} : memref<1008x24xf32, #tpu.memory_space<vmem>>, vector<1x16xf32>,
        %swap3A_1044 = vector.shape_cast %swap3A_1043 : vector<1x16xf32> to vector<16xf32>
        %swap3A_1045 = vector.shape_cast %mul3A_1040 : vector<16xf32> to vector<1x16xf32>
        tpu.vector_store %arg9[%swap3A_1041, %swap3A_1042], %swap3A_1045 {strides = array<i32>} : memref<1008x24xf32, #tpu.memory_space<vmem>>, vector<1x16xf32>,
      }
      %scan3A_164 = arith.constant 63 : i32
      %dma_start3A_165 = arith.constant 0 : i32
      %dma_start3A_166 = tpu.memref_slice %arg7[%dma_start3A_165] : memref<1008xf32, #tpu.memory_space<vmem>> -> memref<1000xf32, #tpu.memory_space<vmem>>
      %dma_start3A_167 = tpu.memref_slice %arg4[%min3A] : memref<800000xf32, #tpu.memory_space<hbm>> -> memref<1000xf32, #tpu.memory_space<hbm>>
      %dma_start3A_168 = arith.constant 0 : i32
      %dma_start3A_169 = tpu.memref_slice %arg7[%dma_start3A_168] : memref<1008xf32, #tpu.memory_space<vmem>> -> memref<1000xf32, #tpu.memory_space<vmem>>
      %dma_start3A_170 = tpu.memref_slice %arg4[%min3A] : memref<800000xf32, #tpu.memory_space<hbm>> -> memref<1000xf32, #tpu.memory_space<hbm>>
      tpu.enqueue_dma source(%dma_start3A_170 : memref<1000xf32, #tpu.memory_space<hbm>>) target(%dma_start3A_169 : memref<1000xf32, #tpu.memory_space<vmem>>) target_semaphore(%arg11 : memref<!tpu.dma_semaphore, #tpu.memory_space<semaphore_mem>>)
      %dma_start3A_171 = arith.constant 0 : i32
      %dma_start3A_172 = arith.constant 0 : i32
      %dma_start3A_173 = tpu.memref_slice %arg8[%dma_start3A_171, %dma_start3A_172] : memref<1008x16xf32, #tpu.memory_space<vmem>> -> memref<1000x16xf32, #tpu.memory_space<vmem>>
      %dma_start3A_174 = arith.constant 0 : i32
      %dma_start3A_175 = tpu.memref_slice %arg2[%min3A, %dma_start3A_174] : memref<800000x16xf32, #tpu.memory_space<hbm>> -> memref<1000x16xf32, #tpu.memory_space<hbm>>
      %dma_start3A_176 = arith.constant 0 : i32
      %dma_start3A_177 = arith.constant 0 : i32
      %dma_start3A_178 = tpu.memref_slice %arg8[%dma_start3A_176, %dma_start3A_177] : memref<1008x16xf32, #tpu.memory_space<vmem>> -> memref<1000x16xf32, #tpu.memory_space<vmem>>
      %dma_start3A_179 = arith.constant 0 : i32
      %dma_start3A_180 = tpu.memref_slice %arg2[%min3A, %dma_start3A_179] : memref<800000x16xf32, #tpu.memory_space<hbm>> -> memref<1000x16xf32, #tpu.memory_space<hbm>>
      tpu.enqueue_dma source(%dma_start3A_180 : memref<1000x16xf32, #tpu.memory_space<hbm>>) target(%dma_start3A_178 : memref<1000x16xf32, #tpu.memory_space<vmem>>) target_semaphore(%arg11 : memref<!tpu.dma_semaphore, #tpu.memory_space<semaphore_mem>>)
      %dma_start3A_181 = arith.constant 0 : i32
      %dma_start3A_182 = arith.constant 0 : i32
      %dma_start3A_183 = arith.constant 0 : i32
      %dma_start3A_184 = tpu.memref_slice %arg9[%dma_start3A_182, %dma_start3A_183] : memref<1008x24xf32, #tpu.memory_space<vmem>> -> memref<40x24xf32, #tpu.memory_space<vmem>>
      %dma_start3A_185 = arith.constant 0 : i32
      %dma_start3A_186 = tpu.memref_slice %arg6[%dma_start3A_181, %dma_start3A_185] : memref<25x40xi32, #tpu.memory_space<vmem>> -> memref<1x40xi32, #tpu.memory_space<vmem>>
      %dma_start3A_187 = tpu.memref_squeeze %dma_start3A_186 : memref<1x40xi32, #tpu.memory_space<vmem>> -> memref<40xi32, #tpu.memory_space<vmem>>
      %dma_start3A_188 = arith.constant 0 : i32
      %dma_start3A_189 = arith.constant 0 : i32
      %dma_start3A_190 = tpu.memref_slice %arg10[%dma_start3A_188, %dma_start3A_189] : memref<50048x24xf32, #tpu.memory_space<vmem_shared>> -> memref<50048x24xf32, #tpu.memory_space<vmem_shared>>
      tpu.enqueue_indirect_dma source(%dma_start3A_184 : memref<40x24xf32, #tpu.memory_space<vmem>>) target(%dma_start3A_190 : memref<50048x24xf32, #tpu.memory_space<vmem_shared>>) offsets(%dma_start3A_187 : memref<40xi32, #tpu.memory_space<vmem>>) semaphore(%arg12 : memref<!tpu.dma_semaphore, #tpu.memory_space<semaphore_mem>>) {add = true}
      %dma_start3A_191 = arith.constant 1 : i32
      %dma_start3A_192 = arith.constant 40 : i32
      %dma_start3A_193 = arith.constant 0 : i32
      %dma_start3A_194 = tpu.memref_slice %arg9[%dma_start3A_192, %dma_start3A_193] : memref<1008x24xf32, #tpu.memory_space<vmem>> -> memref<40x24xf32, #tpu.memory_space<vmem>>
      %dma_start3A_195 = arith.constant 0 : i32
      %dma_start3A_196 = tpu.memref_slice %arg6[%dma_start3A_191, %dma_start3A_195] : memref<25x40xi32, #tpu.memory_space<vmem>> -> memref<1x40xi32, #tpu.memory_space<vmem>>
      %dma_start3A_197 = tpu.memref_squeeze %dma_start3A_196 : memref<1x40xi32, #tpu.memory_space<vmem>> -> memref<40xi32, #tpu.memory_space<vmem>>
      %dma_start3A_198 = arith.constant 0 : i32
      %dma_start3A_199 = arith.constant 0 : i32
      %dma_start3A_200 = tpu.memref_slice %arg10[%dma_start3A_198, %dma_start3A_199] : memref<50048x24xf32, #tpu.memory_space<vmem_shared>> -> memref<50048x24xf32, #tpu.memory_space<vmem_shared>>
      tpu.enqueue_indirect_dma source(%dma_start3A_194 : memref<40x24xf32, #tpu.memory_space<vmem>>) target(%dma_start3A_200 : memref<50048x24xf32, #tpu.memory_space<vmem_shared>>) offsets(%dma_start3A_197 : memref<40xi32, #tpu.memory_space<vmem>>) semaphore(%arg12 : memref<!tpu.dma_semaphore, #tpu.memory_space<semaphore_mem>>) {add = true}
      %dma_start3A_201 = arith.constant 2 : i32
      %dma_start3A_202 = arith.constant 80 : i32
      %dma_start3A_203 = arith.constant 0 : i32
      %dma_start3A_204 = tpu.memref_slice %arg9[%dma_start3A_202, %dma_start3A_203] : memref<1008x24xf32, #tpu.memory_space<vmem>> -> memref<40x24xf32, #tpu.memory_space<vmem>>
      %dma_start3A_205 = arith.constant 0 : i32
      %dma_start3A_206 = tpu.memref_slice %arg6[%dma_start3A_201, %dma_start3A_205] : memref<25x40xi32, #tpu.memory_space<vmem>> -> memref<1x40xi32, #tpu.memory_space<vmem>>
      %dma_start3A_207 = tpu.memref_squeeze %dma_start3A_206 : memref<1x40xi32, #tpu.memory_space<vmem>> -> memref<40xi32, #tpu.memory_space<vmem>>
      %dma_start3A_208 = arith.constant 0 : i32
      %dma_start3A_209 = arith.constant 0 : i32
      %dma_start3A_210 = tpu.memref_slice %arg10[%dma_start3A_208, %dma_start3A_209] : memref<50048x24xf32, #tpu.memory_space<vmem_shared>> -> memref<50048x24xf32, #tpu.memory_space<vmem_shared>>
      tpu.enqueue_indirect_dma source(%dma_start3A_204 : memref<40x24xf32, #tpu.memory_space<vmem>>) target(%dma_start3A_210 : memref<50048x24xf32, #tpu.memory_space<vmem_shared>>) offsets(%dma_start3A_207 : memref<40xi32, #tpu.memory_space<vmem>>) semaphore(%arg12 : memref<!tpu.dma_semaphore, #tpu.memory_space<semaphore_mem>>) {add = true}
      %dma_start3A_211 = arith.constant 3 : i32
      %dma_start3A_212 = arith.constant 120 : i32
      %dma_start3A_213 = arith.constant 0 : i32
      %dma_start3A_214 = tpu.memref_slice %arg9[%dma_start3A_212, %dma_start3A_213] : memref<1008x24xf32, #tpu.memory_space<vmem>> -> memref<40x24xf32, #tpu.memory_space<vmem>>
      %dma_start3A_215 = arith.constant 0 : i32
      %dma_start3A_216 = tpu.memref_slice %arg6[%dma_start3A_211, %dma_start3A_215] : memref<25x40xi32, #tpu.memory_space<vmem>> -> memref<1x40xi32, #tpu.memory_space<vmem>>
      %dma_start3A_217 = tpu.memref_squeeze %dma_start3A_216 : memref<1x40xi32, #tpu.memory_space<vmem>> -> memref<40xi32, #tpu.memory_space<vmem>>
      %dma_start3A_218 = arith.constant 0 : i32
      %dma_start3A_219 = arith.constant 0 : i32
      %dma_start3A_220 = tpu.memref_slice %arg10[%dma_start3A_218, %dma_start3A_219] : memref<50048x24xf32, #tpu.memory_space<vmem_shared>> -> memref<50048x24xf32, #tpu.memory_space<vmem_shared>>
      tpu.enqueue_indirect_dma source(%dma_start3A_214 : memref<40x24xf32, #tpu.memory_space<vmem>>) target(%dma_start3A_220 : memref<50048x24xf32, #tpu.memory_space<vmem_shared>>) offsets(%dma_start3A_217 : memref<40xi32, #tpu.memory_space<vmem>>) semaphore(%arg12 : memref<!tpu.dma_semaphore, #tpu.memory_space<semaphore_mem>>) {add = true}
      %dma_start3A_221 = arith.constant 4 : i32
      %dma_start3A_222 = arith.constant 160 : i32
      %dma_start3A_223 = arith.constant 0 : i32
      %dma_start3A_224 = tpu.memref_slice %arg9[%dma_start3A_222, %dma_start3A_223] : memref<1008x24xf32, #tpu.memory_space<vmem>> -> memref<40x24xf32, #tpu.memory_space<vmem>>
      %dma_start3A_225 = arith.constant 0 : i32
      %dma_start3A_226 = tpu.memref_slice %arg6[%dma_start3A_221, %dma_start3A_225] : memref<25x40xi32, #tpu.memory_space<vmem>> -> memref<1x40xi32, #tpu.memory_space<vmem>>
      %dma_start3A_227 = tpu.memref_squeeze %dma_start3A_226 : memref<1x40xi32, #tpu.memory_space<vmem>> -> memref<40xi32, #tpu.memory_space<vmem>>
      %dma_start3A_228 = arith.constant 0 : i32
      %dma_start3A_229 = arith.constant 0 : i32
      %dma_start3A_230 = tpu.memref_slice %arg10[%dma_start3A_228, %dma_start3A_229] : memref<50048x24xf32, #tpu.memory_space<vmem_shared>> -> memref<50048x24xf32, #tpu.memory_space<vmem_shared>>
      tpu.enqueue_indirect_dma source(%dma_start3A_224 : memref<40x24xf32, #tpu.memory_space<vmem>>) target(%dma_start3A_230 : memref<50048x24xf32, #tpu.memory_space<vmem_shared>>) offsets(%dma_start3A_227 : memref<40xi32, #tpu.memory_space<vmem>>) semaphore(%arg12 : memref<!tpu.dma_semaphore, #tpu.memory_space<semaphore_mem>>) {add = true}
      %dma_start3A_231 = arith.constant 5 : i32
      %dma_start3A_232 = arith.constant 200 : i32
      %dma_start3A_233 = arith.constant 0 : i32
      %dma_start3A_234 = tpu.memref_slice %arg9[%dma_start3A_232, %dma_start3A_233] : memref<1008x24xf32, #tpu.memory_space<vmem>> -> memref<40x24xf32, #tpu.memory_space<vmem>>
      %dma_start3A_235 = arith.constant 0 : i32
      %dma_start3A_236 = tpu.memref_slice %arg6[%dma_start3A_231, %dma_start3A_235] : memref<25x40xi32, #tpu.memory_space<vmem>> -> memref<1x40xi32, #tpu.memory_space<vmem>>
      %dma_start3A_237 = tpu.memref_squeeze %dma_start3A_236 : memref<1x40xi32, #tpu.memory_space<vmem>> -> memref<40xi32, #tpu.memory_space<vmem>>
      %dma_start3A_238 = arith.constant 0 : i32
      %dma_start3A_239 = arith.constant 0 : i32
      %dma_start3A_240 = tpu.memref_slice %arg10[%dma_start3A_238, %dma_start3A_239] : memref<50048x24xf32, #tpu.memory_space<vmem_shared>> -> memref<50048x24xf32, #tpu.memory_space<vmem_shared>>
      tpu.enqueue_indirect_dma source(%dma_start3A_234 : memref<40x24xf32, #tpu.memory_space<vmem>>) target(%dma_start3A_240 : memref<50048x24xf32, #tpu.memory_space<vmem_shared>>) offsets(%dma_start3A_237 : memref<40xi32, #tpu.memory_space<vmem>>) semaphore(%arg12 : memref<!tpu.dma_semaphore, #tpu.memory_space<semaphore_mem>>) {add = true}
      %dma_start3A_241 = arith.constant 6 : i32
      %dma_start3A_242 = arith.constant 240 : i32
      %dma_start3A_243 = arith.constant 0 : i32
      %dma_start3A_244 = tpu.memref_slice %arg9[%dma_start3A_242, %dma_start3A_243] : memref<1008x24xf32, #tpu.memory_space<vmem>> -> memref<40x24xf32, #tpu.memory_space<vmem>>
      %dma_start3A_245 = arith.constant 0 : i32
      %dma_start3A_246 = tpu.memref_slice %arg6[%dma_start3A_241, %dma_start3A_245] : memref<25x40xi32, #tpu.memory_space<vmem>> -> memref<1x40xi32, #tpu.memory_space<vmem>>
      %dma_start3A_247 = tpu.memref_squeeze %dma_start3A_246 : memref<1x40xi32, #tpu.memory_space<vmem>> -> memref<40xi32, #tpu.memory_space<vmem>>
      %dma_start3A_248 = arith.constant 0 : i32
      %dma_start3A_249 = arith.constant 0 : i32
      %dma_start3A_250 = tpu.memref_slice %arg10[%dma_start3A_248, %dma_start3A_249] : memref<50048x24xf32, #tpu.memory_space<vmem_shared>> -> memref<50048x24xf32, #tpu.memory_space<vmem_shared>>
      tpu.enqueue_indirect_dma source(%dma_start3A_244 : memref<40x24xf32, #tpu.memory_space<vmem>>) target(%dma_start3A_250 : memref<50048x24xf32, #tpu.memory_space<vmem_shared>>) offsets(%dma_start3A_247 : memref<40xi32, #tpu.memory_space<vmem>>) semaphore(%arg12 : memref<!tpu.dma_semaphore, #tpu.memory_space<semaphore_mem>>) {add = true}
      %dma_start3A_251 = arith.constant 7 : i32
      %dma_start3A_252 = arith.constant 280 : i32
      %dma_start3A_253 = arith.constant 0 : i32
      %dma_start3A_254 = tpu.memref_slice %arg9[%dma_start3A_252, %dma_start3A_253] : memref<1008x24xf32, #tpu.memory_space<vmem>> -> memref<40x24xf32, #tpu.memory_space<vmem>>
      %dma_start3A_255 = arith.constant 0 : i32
      %dma_start3A_256 = tpu.memref_slice %arg6[%dma_start3A_251, %dma_start3A_255] : memref<25x40xi32, #tpu.memory_space<vmem>> -> memref<1x40xi32, #tpu.memory_space<vmem>>
      %dma_start3A_257 = tpu.memref_squeeze %dma_start3A_256 : memref<1x40xi32, #tpu.memory_space<vmem>> -> memref<40xi32, #tpu.memory_space<vmem>>
      %dma_start3A_258 = arith.constant 0 : i32
      %dma_start3A_259 = arith.constant 0 : i32
      %dma_start3A_260 = tpu.memref_slice %arg10[%dma_start3A_258, %dma_start3A_259] : memref<50048x24xf32, #tpu.memory_space<vmem_shared>> -> memref<50048x24xf32, #tpu.memory_space<vmem_shared>>
      tpu.enqueue_indirect_dma source(%dma_start3A_254 : memref<40x24xf32, #tpu.memory_space<vmem>>) target(%dma_start3A_260 : memref<50048x24xf32, #tpu.memory_space<vmem_shared>>) offsets(%dma_start3A_257 : memref<40xi32, #tpu.memory_space<vmem>>) semaphore(%arg12 : memref<!tpu.dma_semaphore, #tpu.memory_space<semaphore_mem>>) {add = true}
      %dma_start3A_261 = arith.constant 8 : i32
      %dma_start3A_262 = arith.constant 320 : i32
      %dma_start3A_263 = arith.constant 0 : i32
      %dma_start3A_264 = tpu.memref_slice %arg9[%dma_start3A_262, %dma_start3A_263] : memref<1008x24xf32, #tpu.memory_space<vmem>> -> memref<40x24xf32, #tpu.memory_space<vmem>>
      %dma_start3A_265 = arith.constant 0 : i32
      %dma_start3A_266 = tpu.memref_slice %arg6[%dma_start3A_261, %dma_start3A_265] : memref<25x40xi32, #tpu.memory_space<vmem>> -> memref<1x40xi32, #tpu.memory_space<vmem>>
      %dma_start3A_267 = tpu.memref_squeeze %dma_start3A_266 : memref<1x40xi32, #tpu.memory_space<vmem>> -> memref<40xi32, #tpu.memory_space<vmem>>
      %dma_start3A_268 = arith.constant 0 : i32
      %dma_start3A_269 = arith.constant 0 : i32
      %dma_start3A_270 = tpu.memref_slice %arg10[%dma_start3A_268, %dma_start3A_269] : memref<50048x24xf32, #tpu.memory_space<vmem_shared>> -> memref<50048x24xf32, #tpu.memory_space<vmem_shared>>
      tpu.enqueue_indirect_dma source(%dma_start3A_264 : memref<40x24xf32, #tpu.memory_space<vmem>>) target(%dma_start3A_270 : memref<50048x24xf32, #tpu.memory_space<vmem_shared>>) offsets(%dma_start3A_267 : memref<40xi32, #tpu.memory_space<vmem>>) semaphore(%arg12 : memref<!tpu.dma_semaphore, #tpu.memory_space<semaphore_mem>>) {add = true}
      %dma_start3A_271 = arith.constant 9 : i32
      %dma_start3A_272 = arith.constant 360 : i32
      %dma_start3A_273 = arith.constant 0 : i32
      %dma_start3A_274 = tpu.memref_slice %arg9[%dma_start3A_272, %dma_start3A_273] : memref<1008x24xf32, #tpu.memory_space<vmem>> -> memref<40x24xf32, #tpu.memory_space<vmem>>
      %dma_start3A_275 = arith.constant 0 : i32
      %dma_start3A_276 = tpu.memref_slice %arg6[%dma_start3A_271, %dma_start3A_275] : memref<25x40xi32, #tpu.memory_space<vmem>> -> memref<1x40xi32, #tpu.memory_space<vmem>>
      %dma_start3A_277 = tpu.memref_squeeze %dma_start3A_276 : memref<1x40xi32, #tpu.memory_space<vmem>> -> memref<40xi32, #tpu.memory_space<vmem>>
      %dma_start3A_278 = arith.constant 0 : i32
      %dma_start3A_279 = arith.constant 0 : i32
      %dma_start3A_280 = tpu.memref_slice %arg10[%dma_start3A_278, %dma_start3A_279] : memref<50048x24xf32, #tpu.memory_space<vmem_shared>> -> memref<50048x24xf32, #tpu.memory_space<vmem_shared>>
      tpu.enqueue_indirect_dma source(%dma_start3A_274 : memref<40x24xf32, #tpu.memory_space<vmem>>) target(%dma_start3A_280 : memref<50048x24xf32, #tpu.memory_space<vmem_shared>>) offsets(%dma_start3A_277 : memref<40xi32, #tpu.memory_space<vmem>>) semaphore(%arg12 : memref<!tpu.dma_semaphore, #tpu.memory_space<semaphore_mem>>) {add = true}
      %dma_start3A_281 = arith.constant 10 : i32
      %dma_start3A_282 = arith.constant 400 : i32
      %dma_start3A_283 = arith.constant 0 : i32
      %dma_start3A_284 = tpu.memref_slice %arg9[%dma_start3A_282, %dma_start3A_283] : memref<1008x24xf32, #tpu.memory_space<vmem>> -> memref<40x24xf32, #tpu.memory_space<vmem>>
      %dma_start3A_285 = arith.constant 0 : i32
      %dma_start3A_286 = tpu.memref_slice %arg6[%dma_start3A_281, %dma_start3A_285] : memref<25x40xi32, #tpu.memory_space<vmem>> -> memref<1x40xi32, #tpu.memory_space<vmem>>
      %dma_start3A_287 = tpu.memref_squeeze %dma_start3A_286 : memref<1x40xi32, #tpu.memory_space<vmem>> -> memref<40xi32, #tpu.memory_space<vmem>>
      %dma_start3A_288 = arith.constant 0 : i32
      %dma_start3A_289 = arith.constant 0 : i32
      %dma_start3A_290 = tpu.memref_slice %arg10[%dma_start3A_288, %dma_start3A_289] : memref<50048x24xf32, #tpu.memory_space<vmem_shared>> -> memref<50048x24xf32, #tpu.memory_space<vmem_shared>>
      tpu.enqueue_indirect_dma source(%dma_start3A_284 : memref<40x24xf32, #tpu.memory_space<vmem>>) target(%dma_start3A_290 : memref<50048x24xf32, #tpu.memory_space<vmem_shared>>) offsets(%dma_start3A_287 : memref<40xi32, #tpu.memory_space<vmem>>) semaphore(%arg12 : memref<!tpu.dma_semaphore, #tpu.memory_space<semaphore_mem>>) {add = true}
      %dma_start3A_291 = arith.constant 11 : i32
      %dma_start3A_292 = arith.constant 440 : i32
      %dma_start3A_293 = arith.constant 0 : i32
      %dma_start3A_294 = tpu.memref_slice %arg9[%dma_start3A_292, %dma_start3A_293] : memref<1008x24xf32, #tpu.memory_space<vmem>> -> memref<40x24xf32, #tpu.memory_space<vmem>>
      %dma_start3A_295 = arith.constant 0 : i32
      %dma_start3A_296 = tpu.memref_slice %arg6[%dma_start3A_291, %dma_start3A_295] : memref<25x40xi32, #tpu.memory_space<vmem>> -> memref<1x40xi32, #tpu.memory_space<vmem>>
      %dma_start3A_297 = tpu.memref_squeeze %dma_start3A_296 : memref<1x40xi32, #tpu.memory_space<vmem>> -> memref<40xi32, #tpu.memory_space<vmem>>
      %dma_start3A_298 = arith.constant 0 : i32
      %dma_start3A_299 = arith.constant 0 : i32
      %dma_start3A_300 = tpu.memref_slice %arg10[%dma_start3A_298, %dma_start3A_299] : memref<50048x24xf32, #tpu.memory_space<vmem_shared>> -> memref<50048x24xf32, #tpu.memory_space<vmem_shared>>
      tpu.enqueue_indirect_dma source(%dma_start3A_294 : memref<40x24xf32, #tpu.memory_space<vmem>>) target(%dma_start3A_300 : memref<50048x24xf32, #tpu.memory_space<vmem_shared>>) offsets(%dma_start3A_297 : memref<40xi32, #tpu.memory_space<vmem>>) semaphore(%arg12 : memref<!tpu.dma_semaphore, #tpu.memory_space<semaphore_mem>>) {add = true}
      %dma_start3A_301 = arith.constant 12 : i32
      %dma_start3A_302 = arith.constant 480 : i32
      %dma_start3A_303 = arith.constant 0 : i32
      %dma_start3A_304 = tpu.memref_slice %arg9[%dma_start3A_302, %dma_start3A_303] : memref<1008x24xf32, #tpu.memory_space<vmem>> -> memref<40x24xf32, #tpu.memory_space<vmem>>
      %dma_start3A_305 = arith.constant 0 : i32
      %dma_start3A_306 = tpu.memref_slice %arg6[%dma_start3A_301, %dma_start3A_305] : memref<25x40xi32, #tpu.memory_space<vmem>> -> memref<1x40xi32, #tpu.memory_space<vmem>>
      %dma_start3A_307 = tpu.memref_squeeze %dma_start3A_306 : memref<1x40xi32, #tpu.memory_space<vmem>> -> memref<40xi32, #tpu.memory_space<vmem>>
      %dma_start3A_308 = arith.constant 0 : i32
      %dma_start3A_309 = arith.constant 0 : i32
      %dma_start3A_310 = tpu.memref_slice %arg10[%dma_start3A_308, %dma_start3A_309] : memref<50048x24xf32, #tpu.memory_space<vmem_shared>> -> memref<50048x24xf32, #tpu.memory_space<vmem_shared>>
      tpu.enqueue_indirect_dma source(%dma_start3A_304 : memref<40x24xf32, #tpu.memory_space<vmem>>) target(%dma_start3A_310 : memref<50048x24xf32, #tpu.memory_space<vmem_shared>>) offsets(%dma_start3A_307 : memref<40xi32, #tpu.memory_space<vmem>>) semaphore(%arg12 : memref<!tpu.dma_semaphore, #tpu.memory_space<semaphore_mem>>) {add = true}
      %dma_start3A_311 = arith.constant 13 : i32
      %dma_start3A_312 = arith.constant 520 : i32
      %dma_start3A_313 = arith.constant 0 : i32
      %dma_start3A_314 = tpu.memref_slice %arg9[%dma_start3A_312, %dma_start3A_313] : memref<1008x24xf32, #tpu.memory_space<vmem>> -> memref<40x24xf32, #tpu.memory_space<vmem>>
      %dma_start3A_315 = arith.constant 0 : i32
      %dma_start3A_316 = tpu.memref_slice %arg6[%dma_start3A_311, %dma_start3A_315] : memref<25x40xi32, #tpu.memory_space<vmem>> -> memref<1x40xi32, #tpu.memory_space<vmem>>
      %dma_start3A_317 = tpu.memref_squeeze %dma_start3A_316 : memref<1x40xi32, #tpu.memory_space<vmem>> -> memref<40xi32, #tpu.memory_space<vmem>>
      %dma_start3A_318 = arith.constant 0 : i32
      %dma_start3A_319 = arith.constant 0 : i32
      %dma_start3A_320 = tpu.memref_slice %arg10[%dma_start3A_318, %dma_start3A_319] : memref<50048x24xf32, #tpu.memory_space<vmem_shared>> -> memref<50048x24xf32, #tpu.memory_space<vmem_shared>>
      tpu.enqueue_indirect_dma source(%dma_start3A_314 : memref<40x24xf32, #tpu.memory_space<vmem>>) target(%dma_start3A_320 : memref<50048x24xf32, #tpu.memory_space<vmem_shared>>) offsets(%dma_start3A_317 : memref<40xi32, #tpu.memory_space<vmem>>) semaphore(%arg12 : memref<!tpu.dma_semaphore, #tpu.memory_space<semaphore_mem>>) {add = true}
      %dma_start3A_321 = arith.constant 14 : i32
      %dma_start3A_322 = arith.constant 560 : i32
      %dma_start3A_323 = arith.constant 0 : i32
      %dma_start3A_324 = tpu.memref_slice %arg9[%dma_start3A_322, %dma_start3A_323] : memref<1008x24xf32, #tpu.memory_space<vmem>> -> memref<40x24xf32, #tpu.memory_space<vmem>>
      %dma_start3A_325 = arith.constant 0 : i32
      %dma_start3A_326 = tpu.memref_slice %arg6[%dma_start3A_321, %dma_start3A_325] : memref<25x40xi32, #tpu.memory_space<vmem>> -> memref<1x40xi32, #tpu.memory_space<vmem>>
      %dma_start3A_327 = tpu.memref_squeeze %dma_start3A_326 : memref<1x40xi32, #tpu.memory_space<vmem>> -> memref<40xi32, #tpu.memory_space<vmem>>
      %dma_start3A_328 = arith.constant 0 : i32
      %dma_start3A_329 = arith.constant 0 : i32
      %dma_start3A_330 = tpu.memref_slice %arg10[%dma_start3A_328, %dma_start3A_329] : memref<50048x24xf32, #tpu.memory_space<vmem_shared>> -> memref<50048x24xf32, #tpu.memory_space<vmem_shared>>
      tpu.enqueue_indirect_dma source(%dma_start3A_324 : memref<40x24xf32, #tpu.memory_space<vmem>>) target(%dma_start3A_330 : memref<50048x24xf32, #tpu.memory_space<vmem_shared>>) offsets(%dma_start3A_327 : memref<40xi32, #tpu.memory_space<vmem>>) semaphore(%arg12 : memref<!tpu.dma_semaphore, #tpu.memory_space<semaphore_mem>>) {add = true}
      %dma_start3A_331 = arith.constant 15 : i32
      %dma_start3A_332 = arith.constant 600 : i32
      %dma_start3A_333 = arith.constant 0 : i32
      %dma_start3A_334 = tpu.memref_slice %arg9[%dma_start3A_332, %dma_start3A_333] : memref<1008x24xf32, #tpu.memory_space<vmem>> -> memref<40x24xf32, #tpu.memory_space<vmem>>
      %dma_start3A_335 = arith.constant 0 : i32
      %dma_start3A_336 = tpu.memref_slice %arg6[%dma_start3A_331, %dma_start3A_335] : memref<25x40xi32, #tpu.memory_space<vmem>> -> memref<1x40xi32, #tpu.memory_space<vmem>>
      %dma_start3A_337 = tpu.memref_squeeze %dma_start3A_336 : memref<1x40xi32, #tpu.memory_space<vmem>> -> memref<40xi32, #tpu.memory_space<vmem>>
      %dma_start3A_338 = arith.constant 0 : i32
      %dma_start3A_339 = arith.constant 0 : i32
      %dma_start3A_340 = tpu.memref_slice %arg10[%dma_start3A_338, %dma_start3A_339] : memref<50048x24xf32, #tpu.memory_space<vmem_shared>> -> memref<50048x24xf32, #tpu.memory_space<vmem_shared>>
      tpu.enqueue_indirect_dma source(%dma_start3A_334 : memref<40x24xf32, #tpu.memory_space<vmem>>) target(%dma_start3A_340 : memref<50048x24xf32, #tpu.memory_space<vmem_shared>>) offsets(%dma_start3A_337 : memref<40xi32, #tpu.memory_space<vmem>>) semaphore(%arg12 : memref<!tpu.dma_semaphore, #tpu.memory_space<semaphore_mem>>) {add = true}
      %dma_start3A_341 = arith.constant 16 : i32
      %dma_start3A_342 = arith.constant 640 : i32
      %dma_start3A_343 = arith.constant 0 : i32
      %dma_start3A_344 = tpu.memref_slice %arg9[%dma_start3A_342, %dma_start3A_343] : memref<1008x24xf32, #tpu.memory_space<vmem>> -> memref<40x24xf32, #tpu.memory_space<vmem>>
      %dma_start3A_345 = arith.constant 0 : i32
      %dma_start3A_346 = tpu.memref_slice %arg6[%dma_start3A_341, %dma_start3A_345] : memref<25x40xi32, #tpu.memory_space<vmem>> -> memref<1x40xi32, #tpu.memory_space<vmem>>
      %dma_start3A_347 = tpu.memref_squeeze %dma_start3A_346 : memref<1x40xi32, #tpu.memory_space<vmem>> -> memref<40xi32, #tpu.memory_space<vmem>>
      %dma_start3A_348 = arith.constant 0 : i32
      %dma_start3A_349 = arith.constant 0 : i32
      %dma_start3A_350 = tpu.memref_slice %arg10[%dma_start3A_348, %dma_start3A_349] : memref<50048x24xf32, #tpu.memory_space<vmem_shared>> -> memref<50048x24xf32, #tpu.memory_space<vmem_shared>>
      tpu.enqueue_indirect_dma source(%dma_start3A_344 : memref<40x24xf32, #tpu.memory_space<vmem>>) target(%dma_start3A_350 : memref<50048x24xf32, #tpu.memory_space<vmem_shared>>) offsets(%dma_start3A_347 : memref<40xi32, #tpu.memory_space<vmem>>) semaphore(%arg12 : memref<!tpu.dma_semaphore, #tpu.memory_space<semaphore_mem>>) {add = true}
      %dma_start3A_351 = arith.constant 17 : i32
      %dma_start3A_352 = arith.constant 680 : i32
      %dma_start3A_353 = arith.constant 0 : i32
      %dma_start3A_354 = tpu.memref_slice %arg9[%dma_start3A_352, %dma_start3A_353] : memref<1008x24xf32, #tpu.memory_space<vmem>> -> memref<40x24xf32, #tpu.memory_space<vmem>>
      %dma_start3A_355 = arith.constant 0 : i32
      %dma_start3A_356 = tpu.memref_slice %arg6[%dma_start3A_351, %dma_start3A_355] : memref<25x40xi32, #tpu.memory_space<vmem>> -> memref<1x40xi32, #tpu.memory_space<vmem>>
      %dma_start3A_357 = tpu.memref_squeeze %dma_start3A_356 : memref<1x40xi32, #tpu.memory_space<vmem>> -> memref<40xi32, #tpu.memory_space<vmem>>
      %dma_start3A_358 = arith.constant 0 : i32
      %dma_start3A_359 = arith.constant 0 : i32
      %dma_start3A_360 = tpu.memref_slice %arg10[%dma_start3A_358, %dma_start3A_359] : memref<50048x24xf32, #tpu.memory_space<vmem_shared>> -> memref<50048x24xf32, #tpu.memory_space<vmem_shared>>
      tpu.enqueue_indirect_dma source(%dma_start3A_354 : memref<40x24xf32, #tpu.memory_space<vmem>>) target(%dma_start3A_360 : memref<50048x24xf32, #tpu.memory_space<vmem_shared>>) offsets(%dma_start3A_357 : memref<40xi32, #tpu.memory_space<vmem>>) semaphore(%arg12 : memref<!tpu.dma_semaphore, #tpu.memory_space<semaphore_mem>>) {add = true}
      %dma_start3A_361 = arith.constant 18 : i32
      %dma_start3A_362 = arith.constant 720 : i32
      %dma_start3A_363 = arith.constant 0 : i32
      %dma_start3A_364 = tpu.memref_slice %arg9[%dma_start3A_362, %dma_start3A_363] : memref<1008x24xf32, #tpu.memory_space<vmem>> -> memref<40x24xf32, #tpu.memory_space<vmem>>
      %dma_start3A_365 = arith.constant 0 : i32
      %dma_start3A_366 = tpu.memref_slice %arg6[%dma_start3A_361, %dma_start3A_365] : memref<25x40xi32, #tpu.memory_space<vmem>> -> memref<1x40xi32, #tpu.memory_space<vmem>>
      %dma_start3A_367 = tpu.memref_squeeze %dma_start3A_366 : memref<1x40xi32, #tpu.memory_space<vmem>> -> memref<40xi32, #tpu.memory_space<vmem>>
      %dma_start3A_368 = arith.constant 0 : i32
      %dma_start3A_369 = arith.constant 0 : i32
      %dma_start3A_370 = tpu.memref_slice %arg10[%dma_start3A_368, %dma_start3A_369] : memref<50048x24xf32, #tpu.memory_space<vmem_shared>> -> memref<50048x24xf32, #tpu.memory_space<vmem_shared>>
      tpu.enqueue_indirect_dma source(%dma_start3A_364 : memref<40x24xf32, #tpu.memory_space<vmem>>) target(%dma_start3A_370 : memref<50048x24xf32, #tpu.memory_space<vmem_shared>>) offsets(%dma_start3A_367 : memref<40xi32, #tpu.memory_space<vmem>>) semaphore(%arg12 : memref<!tpu.dma_semaphore, #tpu.memory_space<semaphore_mem>>) {add = true}
      %dma_start3A_371 = arith.constant 19 : i32
      %dma_start3A_372 = arith.constant 760 : i32
      %dma_start3A_373 = arith.constant 0 : i32
      %dma_start3A_374 = tpu.memref_slice %arg9[%dma_start3A_372, %dma_start3A_373] : memref<1008x24xf32, #tpu.memory_space<vmem>> -> memref<40x24xf32, #tpu.memory_space<vmem>>
      %dma_start3A_375 = arith.constant 0 : i32
      %dma_start3A_376 = tpu.memref_slice %arg6[%dma_start3A_371, %dma_start3A_375] : memref<25x40xi32, #tpu.memory_space<vmem>> -> memref<1x40xi32, #tpu.memory_space<vmem>>
      %dma_start3A_377 = tpu.memref_squeeze %dma_start3A_376 : memref<1x40xi32, #tpu.memory_space<vmem>> -> memref<40xi32, #tpu.memory_space<vmem>>
      %dma_start3A_378 = arith.constant 0 : i32
      %dma_start3A_379 = arith.constant 0 : i32
      %dma_start3A_380 = tpu.memref_slice %arg10[%dma_start3A_378, %dma_start3A_379] : memref<50048x24xf32, #tpu.memory_space<vmem_shared>> -> memref<50048x24xf32, #tpu.memory_space<vmem_shared>>
      tpu.enqueue_indirect_dma source(%dma_start3A_374 : memref<40x24xf32, #tpu.memory_space<vmem>>) target(%dma_start3A_380 : memref<50048x24xf32, #tpu.memory_space<vmem_shared>>) offsets(%dma_start3A_377 : memref<40xi32, #tpu.memory_space<vmem>>) semaphore(%arg12 : memref<!tpu.dma_semaphore, #tpu.memory_space<semaphore_mem>>) {add = true}
      %dma_start3A_381 = arith.constant 20 : i32
      %dma_start3A_382 = arith.constant 800 : i32
      %dma_start3A_383 = arith.constant 0 : i32
      %dma_start3A_384 = tpu.memref_slice %arg9[%dma_start3A_382, %dma_start3A_383] : memref<1008x24xf32, #tpu.memory_space<vmem>> -> memref<40x24xf32, #tpu.memory_space<vmem>>
      %dma_start3A_385 = arith.constant 0 : i32
      %dma_start3A_386 = tpu.memref_slice %arg6[%dma_start3A_381, %dma_start3A_385] : memref<25x40xi32, #tpu.memory_space<vmem>> -> memref<1x40xi32, #tpu.memory_space<vmem>>
      %dma_start3A_387 = tpu.memref_squeeze %dma_start3A_386 : memref<1x40xi32, #tpu.memory_space<vmem>> -> memref<40xi32, #tpu.memory_space<vmem>>
      %dma_start3A_388 = arith.constant 0 : i32
      %dma_start3A_389 = arith.constant 0 : i32
      %dma_start3A_390 = tpu.memref_slice %arg10[%dma_start3A_388, %dma_start3A_389] : memref<50048x24xf32, #tpu.memory_space<vmem_shared>> -> memref<50048x24xf32, #tpu.memory_space<vmem_shared>>
      tpu.enqueue_indirect_dma source(%dma_start3A_384 : memref<40x24xf32, #tpu.memory_space<vmem>>) target(%dma_start3A_390 : memref<50048x24xf32, #tpu.memory_space<vmem_shared>>) offsets(%dma_start3A_387 : memref<40xi32, #tpu.memory_space<vmem>>) semaphore(%arg12 : memref<!tpu.dma_semaphore, #tpu.memory_space<semaphore_mem>>) {add = true}
      %dma_start3A_391 = arith.constant 21 : i32
      %dma_start3A_392 = arith.constant 840 : i32
      %dma_start3A_393 = arith.constant 0 : i32
      %dma_start3A_394 = tpu.memref_slice %arg9[%dma_start3A_392, %dma_start3A_393] : memref<1008x24xf32, #tpu.memory_space<vmem>> -> memref<40x24xf32, #tpu.memory_space<vmem>>
      %dma_start3A_395 = arith.constant 0 : i32
      %dma_start3A_396 = tpu.memref_slice %arg6[%dma_start3A_391, %dma_start3A_395] : memref<25x40xi32, #tpu.memory_space<vmem>> -> memref<1x40xi32, #tpu.memory_space<vmem>>
      %dma_start3A_397 = tpu.memref_squeeze %dma_start3A_396 : memref<1x40xi32, #tpu.memory_space<vmem>> -> memref<40xi32, #tpu.memory_space<vmem>>
      %dma_start3A_398 = arith.constant 0 : i32
      %dma_start3A_399 = arith.constant 0 : i32
      %dma_start3A_400 = tpu.memref_slice %arg10[%dma_start3A_398, %dma_start3A_399] : memref<50048x24xf32, #tpu.memory_space<vmem_shared>> -> memref<50048x24xf32, #tpu.memory_space<vmem_shared>>
      tpu.enqueue_indirect_dma source(%dma_start3A_394 : memref<40x24xf32, #tpu.memory_space<vmem>>) target(%dma_start3A_400 : memref<50048x24xf32, #tpu.memory_space<vmem_shared>>) offsets(%dma_start3A_397 : memref<40xi32, #tpu.memory_space<vmem>>) semaphore(%arg12 : memref<!tpu.dma_semaphore, #tpu.memory_space<semaphore_mem>>) {add = true}
      %dma_start3A_401 = arith.constant 22 : i32
      %dma_start3A_402 = arith.constant 880 : i32
      %dma_start3A_403 = arith.constant 0 : i32
      %dma_start3A_404 = tpu.memref_slice %arg9[%dma_start3A_402, %dma_start3A_403] : memref<1008x24xf32, #tpu.memory_space<vmem>> -> memref<40x24xf32, #tpu.memory_space<vmem>>
      %dma_start3A_405 = arith.constant 0 : i32
      %dma_start3A_406 = tpu.memref_slice %arg6[%dma_start3A_401, %dma_start3A_405] : memref<25x40xi32, #tpu.memory_space<vmem>> -> memref<1x40xi32, #tpu.memory_space<vmem>>
      %dma_start3A_407 = tpu.memref_squeeze %dma_start3A_406 : memref<1x40xi32, #tpu.memory_space<vmem>> -> memref<40xi32, #tpu.memory_space<vmem>>
      %dma_start3A_408 = arith.constant 0 : i32
      %dma_start3A_409 = arith.constant 0 : i32
      %dma_start3A_410 = tpu.memref_slice %arg10[%dma_start3A_408, %dma_start3A_409] : memref<50048x24xf32, #tpu.memory_space<vmem_shared>> -> memref<50048x24xf32, #tpu.memory_space<vmem_shared>>
      tpu.enqueue_indirect_dma source(%dma_start3A_404 : memref<40x24xf32, #tpu.memory_space<vmem>>) target(%dma_start3A_410 : memref<50048x24xf32, #tpu.memory_space<vmem_shared>>) offsets(%dma_start3A_407 : memref<40xi32, #tpu.memory_space<vmem>>) semaphore(%arg12 : memref<!tpu.dma_semaphore, #tpu.memory_space<semaphore_mem>>) {add = true}
      %dma_start3A_411 = arith.constant 23 : i32
      %dma_start3A_412 = arith.constant 920 : i32
      %dma_start3A_413 = arith.constant 0 : i32
      %dma_start3A_414 = tpu.memref_slice %arg9[%dma_start3A_412, %dma_start3A_413] : memref<1008x24xf32, #tpu.memory_space<vmem>> -> memref<40x24xf32, #tpu.memory_space<vmem>>
      %dma_start3A_415 = arith.constant 0 : i32
      %dma_start3A_416 = tpu.memref_slice %arg6[%dma_start3A_411, %dma_start3A_415] : memref<25x40xi32, #tpu.memory_space<vmem>> -> memref<1x40xi32, #tpu.memory_space<vmem>>
      %dma_start3A_417 = tpu.memref_squeeze %dma_start3A_416 : memref<1x40xi32, #tpu.memory_space<vmem>> -> memref<40xi32, #tpu.memory_space<vmem>>
      %dma_start3A_418 = arith.constant 0 : i32
      %dma_start3A_419 = arith.constant 0 : i32
      %dma_start3A_420 = tpu.memref_slice %arg10[%dma_start3A_418, %dma_start3A_419] : memref<50048x24xf32, #tpu.memory_space<vmem_shared>> -> memref<50048x24xf32, #tpu.memory_space<vmem_shared>>
      tpu.enqueue_indirect_dma source(%dma_start3A_414 : memref<40x24xf32, #tpu.memory_space<vmem>>) target(%dma_start3A_420 : memref<50048x24xf32, #tpu.memory_space<vmem_shared>>) offsets(%dma_start3A_417 : memref<40xi32, #tpu.memory_space<vmem>>) semaphore(%arg12 : memref<!tpu.dma_semaphore, #tpu.memory_space<semaphore_mem>>) {add = true}
      %dma_start3A_421 = arith.constant 24 : i32
      %dma_start3A_422 = arith.constant 960 : i32
      %dma_start3A_423 = arith.constant 0 : i32
      %dma_start3A_424 = tpu.memref_slice %arg9[%dma_start3A_422, %dma_start3A_423] : memref<1008x24xf32, #tpu.memory_space<vmem>> -> memref<40x24xf32, #tpu.memory_space<vmem>>
      %dma_start3A_425 = arith.constant 0 : i32
      %dma_start3A_426 = tpu.memref_slice %arg6[%dma_start3A_421, %dma_start3A_425] : memref<25x40xi32, #tpu.memory_space<vmem>> -> memref<1x40xi32, #tpu.memory_space<vmem>>
      %dma_start3A_427 = tpu.memref_squeeze %dma_start3A_426 : memref<1x40xi32, #tpu.memory_space<vmem>> -> memref<40xi32, #tpu.memory_space<vmem>>
      %dma_start3A_428 = arith.constant 0 : i32
      %dma_start3A_429 = arith.constant 0 : i32
      %dma_start3A_430 = tpu.memref_slice %arg10[%dma_start3A_428, %dma_start3A_429] : memref<50048x24xf32, #tpu.memory_space<vmem_shared>> -> memref<50048x24xf32, #tpu.memory_space<vmem_shared>>
      tpu.enqueue_indirect_dma source(%dma_start3A_424 : memref<40x24xf32, #tpu.memory_space<vmem>>) target(%dma_start3A_430 : memref<50048x24xf32, #tpu.memory_space<vmem_shared>>) offsets(%dma_start3A_427 : memref<40xi32, #tpu.memory_space<vmem>>) semaphore(%arg12 : memref<!tpu.dma_semaphore, #tpu.memory_space<semaphore_mem>>) {add = true}
      %dma_wait3A_431 = arith.constant 0 : i32
      %dma_wait3A_432 = arith.constant 0 : i32
      %dma_wait3A_433 = arith.constant 0 : i32
      %dma_wait3A_434 = tpu.memref_slice %arg9[%dma_wait3A_432, %dma_wait3A_433] : memref<1008x24xf32, #tpu.memory_space<vmem>> -> memref<40x24xf32, #tpu.memory_space<vmem>>
      %dma_wait3A_435 = arith.constant 0 : i32
      %dma_wait3A_436 = tpu.memref_slice %arg6[%dma_wait3A_431, %dma_wait3A_435] : memref<25x40xi32, #tpu.memory_space<vmem>> -> memref<1x40xi32, #tpu.memory_space<vmem>>
      %dma_wait3A_437 = tpu.memref_squeeze %dma_wait3A_436 : memref<1x40xi32, #tpu.memory_space<vmem>> -> memref<40xi32, #tpu.memory_space<vmem>>
      %dma_wait3A_438 = arith.constant 0 : i32
      %dma_wait3A_439 = arith.constant 0 : i32
      %dma_wait3A_440 = tpu.memref_slice %arg10[%dma_wait3A_438, %dma_wait3A_439] : memref<50048x24xf32, #tpu.memory_space<vmem_shared>> -> memref<50048x24xf32, #tpu.memory_space<vmem_shared>>
      tpu.wait_indirect_dma semaphore(%arg12 : memref<!tpu.dma_semaphore, #tpu.memory_space<semaphore_mem>>) src(%dma_wait3A_434 : memref<40x24xf32, #tpu.memory_space<vmem>>) dst(%dma_wait3A_440 : memref<50048x24xf32, #tpu.memory_space<vmem_shared>>)
      %dma_wait3A_441 = arith.constant 1 : i32
      %dma_wait3A_442 = arith.constant 40 : i32
      %dma_wait3A_443 = arith.constant 0 : i32
      %dma_wait3A_444 = tpu.memref_slice %arg9[%dma_wait3A_442, %dma_wait3A_443] : memref<1008x24xf32, #tpu.memory_space<vmem>> -> memref<40x24xf32, #tpu.memory_space<vmem>>
      %dma_wait3A_445 = arith.constant 0 : i32
      %dma_wait3A_446 = tpu.memref_slice %arg6[%dma_wait3A_441, %dma_wait3A_445] : memref<25x40xi32, #tpu.memory_space<vmem>> -> memref<1x40xi32, #tpu.memory_space<vmem>>
      %dma_wait3A_447 = tpu.memref_squeeze %dma_wait3A_446 : memref<1x40xi32, #tpu.memory_space<vmem>> -> memref<40xi32, #tpu.memory_space<vmem>>
      %dma_wait3A_448 = arith.constant 0 : i32
      %dma_wait3A_449 = arith.constant 0 : i32
      %dma_wait3A_450 = tpu.memref_slice %arg10[%dma_wait3A_448, %dma_wait3A_449] : memref<50048x24xf32, #tpu.memory_space<vmem_shared>> -> memref<50048x24xf32, #tpu.memory_space<vmem_shared>>
      tpu.wait_indirect_dma semaphore(%arg12 : memref<!tpu.dma_semaphore, #tpu.memory_space<semaphore_mem>>) src(%dma_wait3A_444 : memref<40x24xf32, #tpu.memory_space<vmem>>) dst(%dma_wait3A_450 : memref<50048x24xf32, #tpu.memory_space<vmem_shared>>)
      %dma_wait3A_451 = arith.constant 2 : i32
      %dma_wait3A_452 = arith.constant 80 : i32
      %dma_wait3A_453 = arith.constant 0 : i32
      %dma_wait3A_454 = tpu.memref_slice %arg9[%dma_wait3A_452, %dma_wait3A_453] : memref<1008x24xf32, #tpu.memory_space<vmem>> -> memref<40x24xf32, #tpu.memory_space<vmem>>
      %dma_wait3A_455 = arith.constant 0 : i32
      %dma_wait3A_456 = tpu.memref_slice %arg6[%dma_wait3A_451, %dma_wait3A_455] : memref<25x40xi32, #tpu.memory_space<vmem>> -> memref<1x40xi32, #tpu.memory_space<vmem>>
      %dma_wait3A_457 = tpu.memref_squeeze %dma_wait3A_456 : memref<1x40xi32, #tpu.memory_space<vmem>> -> memref<40xi32, #tpu.memory_space<vmem>>
      %dma_wait3A_458 = arith.constant 0 : i32
      %dma_wait3A_459 = arith.constant 0 : i32
      %dma_wait3A_460 = tpu.memref_slice %arg10[%dma_wait3A_458, %dma_wait3A_459] : memref<50048x24xf32, #tpu.memory_space<vmem_shared>> -> memref<50048x24xf32, #tpu.memory_space<vmem_shared>>
      tpu.wait_indirect_dma semaphore(%arg12 : memref<!tpu.dma_semaphore, #tpu.memory_space<semaphore_mem>>) src(%dma_wait3A_454 : memref<40x24xf32, #tpu.memory_space<vmem>>) dst(%dma_wait3A_460 : memref<50048x24xf32, #tpu.memory_space<vmem_shared>>)
      %dma_wait3A_461 = arith.constant 3 : i32
      %dma_wait3A_462 = arith.constant 120 : i32
      %dma_wait3A_463 = arith.constant 0 : i32
      %dma_wait3A_464 = tpu.memref_slice %arg9[%dma_wait3A_462, %dma_wait3A_463] : memref<1008x24xf32, #tpu.memory_space<vmem>> -> memref<40x24xf32, #tpu.memory_space<vmem>>
      %dma_wait3A_465 = arith.constant 0 : i32
      %dma_wait3A_466 = tpu.memref_slice %arg6[%dma_wait3A_461, %dma_wait3A_465] : memref<25x40xi32, #tpu.memory_space<vmem>> -> memref<1x40xi32, #tpu.memory_space<vmem>>
      %dma_wait3A_467 = tpu.memref_squeeze %dma_wait3A_466 : memref<1x40xi32, #tpu.memory_space<vmem>> -> memref<40xi32, #tpu.memory_space<vmem>>
      %dma_wait3A_468 = arith.constant 0 : i32
      %dma_wait3A_469 = arith.constant 0 : i32
      %dma_wait3A_470 = tpu.memref_slice %arg10[%dma_wait3A_468, %dma_wait3A_469] : memref<50048x24xf32, #tpu.memory_space<vmem_shared>> -> memref<50048x24xf32, #tpu.memory_space<vmem_shared>>
      tpu.wait_indirect_dma semaphore(%arg12 : memref<!tpu.dma_semaphore, #tpu.memory_space<semaphore_mem>>) src(%dma_wait3A_464 : memref<40x24xf32, #tpu.memory_space<vmem>>) dst(%dma_wait3A_470 : memref<50048x24xf32, #tpu.memory_space<vmem_shared>>)
      %dma_wait3A_471 = arith.constant 4 : i32
      %dma_wait3A_472 = arith.constant 160 : i32
      %dma_wait3A_473 = arith.constant 0 : i32
      %dma_wait3A_474 = tpu.memref_slice %arg9[%dma_wait3A_472, %dma_wait3A_473] : memref<1008x24xf32, #tpu.memory_space<vmem>> -> memref<40x24xf32, #tpu.memory_space<vmem>>
      %dma_wait3A_475 = arith.constant 0 : i32
      %dma_wait3A_476 = tpu.memref_slice %arg6[%dma_wait3A_471, %dma_wait3A_475] : memref<25x40xi32, #tpu.memory_space<vmem>> -> memref<1x40xi32, #tpu.memory_space<vmem>>
      %dma_wait3A_477 = tpu.memref_squeeze %dma_wait3A_476 : memref<1x40xi32, #tpu.memory_space<vmem>> -> memref<40xi32, #tpu.memory_space<vmem>>
      %dma_wait3A_478 = arith.constant 0 : i32
      %dma_wait3A_479 = arith.constant 0 : i32
      %dma_wait3A_480 = tpu.memref_slice %arg10[%dma_wait3A_478, %dma_wait3A_479] : memref<50048x24xf32, #tpu.memory_space<vmem_shared>> -> memref<50048x24xf32, #tpu.memory_space<vmem_shared>>
      tpu.wait_indirect_dma semaphore(%arg12 : memref<!tpu.dma_semaphore, #tpu.memory_space<semaphore_mem>>) src(%dma_wait3A_474 : memref<40x24xf32, #tpu.memory_space<vmem>>) dst(%dma_wait3A_480 : memref<50048x24xf32, #tpu.memory_space<vmem_shared>>)
      %dma_wait3A_481 = arith.constant 5 : i32
      %dma_wait3A_482 = arith.constant 200 : i32
      %dma_wait3A_483 = arith.constant 0 : i32
      %dma_wait3A_484 = tpu.memref_slice %arg9[%dma_wait3A_482, %dma_wait3A_483] : memref<1008x24xf32, #tpu.memory_space<vmem>> -> memref<40x24xf32, #tpu.memory_space<vmem>>
      %dma_wait3A_485 = arith.constant 0 : i32
      %dma_wait3A_486 = tpu.memref_slice %arg6[%dma_wait3A_481, %dma_wait3A_485] : memref<25x40xi32, #tpu.memory_space<vmem>> -> memref<1x40xi32, #tpu.memory_space<vmem>>
      %dma_wait3A_487 = tpu.memref_squeeze %dma_wait3A_486 : memref<1x40xi32, #tpu.memory_space<vmem>> -> memref<40xi32, #tpu.memory_space<vmem>>
      %dma_wait3A_488 = arith.constant 0 : i32
      %dma_wait3A_489 = arith.constant 0 : i32
      %dma_wait3A_490 = tpu.memref_slice %arg10[%dma_wait3A_488, %dma_wait3A_489] : memref<50048x24xf32, #tpu.memory_space<vmem_shared>> -> memref<50048x24xf32, #tpu.memory_space<vmem_shared>>
      tpu.wait_indirect_dma semaphore(%arg12 : memref<!tpu.dma_semaphore, #tpu.memory_space<semaphore_mem>>) src(%dma_wait3A_484 : memref<40x24xf32, #tpu.memory_space<vmem>>) dst(%dma_wait3A_490 : memref<50048x24xf32, #tpu.memory_space<vmem_shared>>)
      %dma_wait3A_491 = arith.constant 6 : i32
      %dma_wait3A_492 = arith.constant 240 : i32
      %dma_wait3A_493 = arith.constant 0 : i32
      %dma_wait3A_494 = tpu.memref_slice %arg9[%dma_wait3A_492, %dma_wait3A_493] : memref<1008x24xf32, #tpu.memory_space<vmem>> -> memref<40x24xf32, #tpu.memory_space<vmem>>
      %dma_wait3A_495 = arith.constant 0 : i32
      %dma_wait3A_496 = tpu.memref_slice %arg6[%dma_wait3A_491, %dma_wait3A_495] : memref<25x40xi32, #tpu.memory_space<vmem>> -> memref<1x40xi32, #tpu.memory_space<vmem>>
      %dma_wait3A_497 = tpu.memref_squeeze %dma_wait3A_496 : memref<1x40xi32, #tpu.memory_space<vmem>> -> memref<40xi32, #tpu.memory_space<vmem>>
      %dma_wait3A_498 = arith.constant 0 : i32
      %dma_wait3A_499 = arith.constant 0 : i32
      %dma_wait3A_500 = tpu.memref_slice %arg10[%dma_wait3A_498, %dma_wait3A_499] : memref<50048x24xf32, #tpu.memory_space<vmem_shared>> -> memref<50048x24xf32, #tpu.memory_space<vmem_shared>>
      tpu.wait_indirect_dma semaphore(%arg12 : memref<!tpu.dma_semaphore, #tpu.memory_space<semaphore_mem>>) src(%dma_wait3A_494 : memref<40x24xf32, #tpu.memory_space<vmem>>) dst(%dma_wait3A_500 : memref<50048x24xf32, #tpu.memory_space<vmem_shared>>)
      %dma_wait3A_501 = arith.constant 7 : i32
      %dma_wait3A_502 = arith.constant 280 : i32
      %dma_wait3A_503 = arith.constant 0 : i32
      %dma_wait3A_504 = tpu.memref_slice %arg9[%dma_wait3A_502, %dma_wait3A_503] : memref<1008x24xf32, #tpu.memory_space<vmem>> -> memref<40x24xf32, #tpu.memory_space<vmem>>
      %dma_wait3A_505 = arith.constant 0 : i32
      %dma_wait3A_506 = tpu.memref_slice %arg6[%dma_wait3A_501, %dma_wait3A_505] : memref<25x40xi32, #tpu.memory_space<vmem>> -> memref<1x40xi32, #tpu.memory_space<vmem>>
      %dma_wait3A_507 = tpu.memref_squeeze %dma_wait3A_506 : memref<1x40xi32, #tpu.memory_space<vmem>> -> memref<40xi32, #tpu.memory_space<vmem>>
      %dma_wait3A_508 = arith.constant 0 : i32
      %dma_wait3A_509 = arith.constant 0 : i32
      %dma_wait3A_510 = tpu.memref_slice %arg10[%dma_wait3A_508, %dma_wait3A_509] : memref<50048x24xf32, #tpu.memory_space<vmem_shared>> -> memref<50048x24xf32, #tpu.memory_space<vmem_shared>>
      tpu.wait_indirect_dma semaphore(%arg12 : memref<!tpu.dma_semaphore, #tpu.memory_space<semaphore_mem>>) src(%dma_wait3A_504 : memref<40x24xf32, #tpu.memory_space<vmem>>) dst(%dma_wait3A_510 : memref<50048x24xf32, #tpu.memory_space<vmem_shared>>)
      %dma_wait3A_511 = arith.constant 8 : i32
      %dma_wait3A_512 = arith.constant 320 : i32
      %dma_wait3A_513 = arith.constant 0 : i32
      %dma_wait3A_514 = tpu.memref_slice %arg9[%dma_wait3A_512, %dma_wait3A_513] : memref<1008x24xf32, #tpu.memory_space<vmem>> -> memref<40x24xf32, #tpu.memory_space<vmem>>
      %dma_wait3A_515 = arith.constant 0 : i32
      %dma_wait3A_516 = tpu.memref_slice %arg6[%dma_wait3A_511, %dma_wait3A_515] : memref<25x40xi32, #tpu.memory_space<vmem>> -> memref<1x40xi32, #tpu.memory_space<vmem>>
      %dma_wait3A_517 = tpu.memref_squeeze %dma_wait3A_516 : memref<1x40xi32, #tpu.memory_space<vmem>> -> memref<40xi32, #tpu.memory_space<vmem>>
      %dma_wait3A_518 = arith.constant 0 : i32
      %dma_wait3A_519 = arith.constant 0 : i32
      %dma_wait3A_520 = tpu.memref_slice %arg10[%dma_wait3A_518, %dma_wait3A_519] : memref<50048x24xf32, #tpu.memory_space<vmem_shared>> -> memref<50048x24xf32, #tpu.memory_space<vmem_shared>>
      tpu.wait_indirect_dma semaphore(%arg12 : memref<!tpu.dma_semaphore, #tpu.memory_space<semaphore_mem>>) src(%dma_wait3A_514 : memref<40x24xf32, #tpu.memory_space<vmem>>) dst(%dma_wait3A_520 : memref<50048x24xf32, #tpu.memory_space<vmem_shared>>)
      %dma_wait3A_521 = arith.constant 9 : i32
      %dma_wait3A_522 = arith.constant 360 : i32
      %dma_wait3A_523 = arith.constant 0 : i32
      %dma_wait3A_524 = tpu.memref_slice %arg9[%dma_wait3A_522, %dma_wait3A_523] : memref<1008x24xf32, #tpu.memory_space<vmem>> -> memref<40x24xf32, #tpu.memory_space<vmem>>
      %dma_wait3A_525 = arith.constant 0 : i32
      %dma_wait3A_526 = tpu.memref_slice %arg6[%dma_wait3A_521, %dma_wait3A_525] : memref<25x40xi32, #tpu.memory_space<vmem>> -> memref<1x40xi32, #tpu.memory_space<vmem>>
      %dma_wait3A_527 = tpu.memref_squeeze %dma_wait3A_526 : memref<1x40xi32, #tpu.memory_space<vmem>> -> memref<40xi32, #tpu.memory_space<vmem>>
      %dma_wait3A_528 = arith.constant 0 : i32
      %dma_wait3A_529 = arith.constant 0 : i32
      %dma_wait3A_530 = tpu.memref_slice %arg10[%dma_wait3A_528, %dma_wait3A_529] : memref<50048x24xf32, #tpu.memory_space<vmem_shared>> -> memref<50048x24xf32, #tpu.memory_space<vmem_shared>>
      tpu.wait_indirect_dma semaphore(%arg12 : memref<!tpu.dma_semaphore, #tpu.memory_space<semaphore_mem>>) src(%dma_wait3A_524 : memref<40x24xf32, #tpu.memory_space<vmem>>) dst(%dma_wait3A_530 : memref<50048x24xf32, #tpu.memory_space<vmem_shared>>)
      %dma_wait3A_531 = arith.constant 10 : i32
      %dma_wait3A_532 = arith.constant 400 : i32
      %dma_wait3A_533 = arith.constant 0 : i32
      %dma_wait3A_534 = tpu.memref_slice %arg9[%dma_wait3A_532, %dma_wait3A_533] : memref<1008x24xf32, #tpu.memory_space<vmem>> -> memref<40x24xf32, #tpu.memory_space<vmem>>
      %dma_wait3A_535 = arith.constant 0 : i32
      %dma_wait3A_536 = tpu.memref_slice %arg6[%dma_wait3A_531, %dma_wait3A_535] : memref<25x40xi32, #tpu.memory_space<vmem>> -> memref<1x40xi32, #tpu.memory_space<vmem>>
      %dma_wait3A_537 = tpu.memref_squeeze %dma_wait3A_536 : memref<1x40xi32, #tpu.memory_space<vmem>> -> memref<40xi32, #tpu.memory_space<vmem>>
      %dma_wait3A_538 = arith.constant 0 : i32
      %dma_wait3A_539 = arith.constant 0 : i32
      %dma_wait3A_540 = tpu.memref_slice %arg10[%dma_wait3A_538, %dma_wait3A_539] : memref<50048x24xf32, #tpu.memory_space<vmem_shared>> -> memref<50048x24xf32, #tpu.memory_space<vmem_shared>>
      tpu.wait_indirect_dma semaphore(%arg12 : memref<!tpu.dma_semaphore, #tpu.memory_space<semaphore_mem>>) src(%dma_wait3A_534 : memref<40x24xf32, #tpu.memory_space<vmem>>) dst(%dma_wait3A_540 : memref<50048x24xf32, #tpu.memory_space<vmem_shared>>)
      %dma_wait3A_541 = arith.constant 11 : i32
      %dma_wait3A_542 = arith.constant 440 : i32
      %dma_wait3A_543 = arith.constant 0 : i32
      %dma_wait3A_544 = tpu.memref_slice %arg9[%dma_wait3A_542, %dma_wait3A_543] : memref<1008x24xf32, #tpu.memory_space<vmem>> -> memref<40x24xf32, #tpu.memory_space<vmem>>
      %dma_wait3A_545 = arith.constant 0 : i32
      %dma_wait3A_546 = tpu.memref_slice %arg6[%dma_wait3A_541, %dma_wait3A_545] : memref<25x40xi32, #tpu.memory_space<vmem>> -> memref<1x40xi32, #tpu.memory_space<vmem>>
      %dma_wait3A_547 = tpu.memref_squeeze %dma_wait3A_546 : memref<1x40xi32, #tpu.memory_space<vmem>> -> memref<40xi32, #tpu.memory_space<vmem>>
      %dma_wait3A_548 = arith.constant 0 : i32
      %dma_wait3A_549 = arith.constant 0 : i32
      %dma_wait3A_550 = tpu.memref_slice %arg10[%dma_wait3A_548, %dma_wait3A_549] : memref<50048x24xf32, #tpu.memory_space<vmem_shared>> -> memref<50048x24xf32, #tpu.memory_space<vmem_shared>>
      tpu.wait_indirect_dma semaphore(%arg12 : memref<!tpu.dma_semaphore, #tpu.memory_space<semaphore_mem>>) src(%dma_wait3A_544 : memref<40x24xf32, #tpu.memory_space<vmem>>) dst(%dma_wait3A_550 : memref<50048x24xf32, #tpu.memory_space<vmem_shared>>)
      %dma_wait3A_551 = arith.constant 12 : i32
      %dma_wait3A_552 = arith.constant 480 : i32
      %dma_wait3A_553 = arith.constant 0 : i32
      %dma_wait3A_554 = tpu.memref_slice %arg9[%dma_wait3A_552, %dma_wait3A_553] : memref<1008x24xf32, #tpu.memory_space<vmem>> -> memref<40x24xf32, #tpu.memory_space<vmem>>
      %dma_wait3A_555 = arith.constant 0 : i32
      %dma_wait3A_556 = tpu.memref_slice %arg6[%dma_wait3A_551, %dma_wait3A_555] : memref<25x40xi32, #tpu.memory_space<vmem>> -> memref<1x40xi32, #tpu.memory_space<vmem>>
      %dma_wait3A_557 = tpu.memref_squeeze %dma_wait3A_556 : memref<1x40xi32, #tpu.memory_space<vmem>> -> memref<40xi32, #tpu.memory_space<vmem>>
      %dma_wait3A_558 = arith.constant 0 : i32
      %dma_wait3A_559 = arith.constant 0 : i32
      %dma_wait3A_560 = tpu.memref_slice %arg10[%dma_wait3A_558, %dma_wait3A_559] : memref<50048x24xf32, #tpu.memory_space<vmem_shared>> -> memref<50048x24xf32, #tpu.memory_space<vmem_shared>>
      tpu.wait_indirect_dma semaphore(%arg12 : memref<!tpu.dma_semaphore, #tpu.memory_space<semaphore_mem>>) src(%dma_wait3A_554 : memref<40x24xf32, #tpu.memory_space<vmem>>) dst(%dma_wait3A_560 : memref<50048x24xf32, #tpu.memory_space<vmem_shared>>)
      %dma_wait3A_561 = arith.constant 13 : i32
      %dma_wait3A_562 = arith.constant 520 : i32
      %dma_wait3A_563 = arith.constant 0 : i32
      %dma_wait3A_564 = tpu.memref_slice %arg9[%dma_wait3A_562, %dma_wait3A_563] : memref<1008x24xf32, #tpu.memory_space<vmem>> -> memref<40x24xf32, #tpu.memory_space<vmem>>
      %dma_wait3A_565 = arith.constant 0 : i32
      %dma_wait3A_566 = tpu.memref_slice %arg6[%dma_wait3A_561, %dma_wait3A_565] : memref<25x40xi32, #tpu.memory_space<vmem>> -> memref<1x40xi32, #tpu.memory_space<vmem>>
      %dma_wait3A_567 = tpu.memref_squeeze %dma_wait3A_566 : memref<1x40xi32, #tpu.memory_space<vmem>> -> memref<40xi32, #tpu.memory_space<vmem>>
      %dma_wait3A_568 = arith.constant 0 : i32
      %dma_wait3A_569 = arith.constant 0 : i32
      %dma_wait3A_570 = tpu.memref_slice %arg10[%dma_wait3A_568, %dma_wait3A_569] : memref<50048x24xf32, #tpu.memory_space<vmem_shared>> -> memref<50048x24xf32, #tpu.memory_space<vmem_shared>>
      tpu.wait_indirect_dma semaphore(%arg12 : memref<!tpu.dma_semaphore, #tpu.memory_space<semaphore_mem>>) src(%dma_wait3A_564 : memref<40x24xf32, #tpu.memory_space<vmem>>) dst(%dma_wait3A_570 : memref<50048x24xf32, #tpu.memory_space<vmem_shared>>)
      %dma_wait3A_571 = arith.constant 14 : i32
      %dma_wait3A_572 = arith.constant 560 : i32
      %dma_wait3A_573 = arith.constant 0 : i32
      %dma_wait3A_574 = tpu.memref_slice %arg9[%dma_wait3A_572, %dma_wait3A_573] : memref<1008x24xf32, #tpu.memory_space<vmem>> -> memref<40x24xf32, #tpu.memory_space<vmem>>
      %dma_wait3A_575 = arith.constant 0 : i32
      %dma_wait3A_576 = tpu.memref_slice %arg6[%dma_wait3A_571, %dma_wait3A_575] : memref<25x40xi32, #tpu.memory_space<vmem>> -> memref<1x40xi32, #tpu.memory_space<vmem>>
      %dma_wait3A_577 = tpu.memref_squeeze %dma_wait3A_576 : memref<1x40xi32, #tpu.memory_space<vmem>> -> memref<40xi32, #tpu.memory_space<vmem>>
      %dma_wait3A_578 = arith.constant 0 : i32
      %dma_wait3A_579 = arith.constant 0 : i32
      %dma_wait3A_580 = tpu.memref_slice %arg10[%dma_wait3A_578, %dma_wait3A_579] : memref<50048x24xf32, #tpu.memory_space<vmem_shared>> -> memref<50048x24xf32, #tpu.memory_space<vmem_shared>>
      tpu.wait_indirect_dma semaphore(%arg12 : memref<!tpu.dma_semaphore, #tpu.memory_space<semaphore_mem>>) src(%dma_wait3A_574 : memref<40x24xf32, #tpu.memory_space<vmem>>) dst(%dma_wait3A_580 : memref<50048x24xf32, #tpu.memory_space<vmem_shared>>)
      %dma_wait3A_581 = arith.constant 15 : i32
      %dma_wait3A_582 = arith.constant 600 : i32
      %dma_wait3A_583 = arith.constant 0 : i32
      %dma_wait3A_584 = tpu.memref_slice %arg9[%dma_wait3A_582, %dma_wait3A_583] : memref<1008x24xf32, #tpu.memory_space<vmem>> -> memref<40x24xf32, #tpu.memory_space<vmem>>
      %dma_wait3A_585 = arith.constant 0 : i32
      %dma_wait3A_586 = tpu.memref_slice %arg6[%dma_wait3A_581, %dma_wait3A_585] : memref<25x40xi32, #tpu.memory_space<vmem>> -> memref<1x40xi32, #tpu.memory_space<vmem>>
      %dma_wait3A_587 = tpu.memref_squeeze %dma_wait3A_586 : memref<1x40xi32, #tpu.memory_space<vmem>> -> memref<40xi32, #tpu.memory_space<vmem>>
      %dma_wait3A_588 = arith.constant 0 : i32
      %dma_wait3A_589 = arith.constant 0 : i32
      %dma_wait3A_590 = tpu.memref_slice %arg10[%dma_wait3A_588, %dma_wait3A_589] : memref<50048x24xf32, #tpu.memory_space<vmem_shared>> -> memref<50048x24xf32, #tpu.memory_space<vmem_shared>>
      tpu.wait_indirect_dma semaphore(%arg12 : memref<!tpu.dma_semaphore, #tpu.memory_space<semaphore_mem>>) src(%dma_wait3A_584 : memref<40x24xf32, #tpu.memory_space<vmem>>) dst(%dma_wait3A_590 : memref<50048x24xf32, #tpu.memory_space<vmem_shared>>)
      %dma_wait3A_591 = arith.constant 16 : i32
      %dma_wait3A_592 = arith.constant 640 : i32
      %dma_wait3A_593 = arith.constant 0 : i32
      %dma_wait3A_594 = tpu.memref_slice %arg9[%dma_wait3A_592, %dma_wait3A_593] : memref<1008x24xf32, #tpu.memory_space<vmem>> -> memref<40x24xf32, #tpu.memory_space<vmem>>
      %dma_wait3A_595 = arith.constant 0 : i32
      %dma_wait3A_596 = tpu.memref_slice %arg6[%dma_wait3A_591, %dma_wait3A_595] : memref<25x40xi32, #tpu.memory_space<vmem>> -> memref<1x40xi32, #tpu.memory_space<vmem>>
      %dma_wait3A_597 = tpu.memref_squeeze %dma_wait3A_596 : memref<1x40xi32, #tpu.memory_space<vmem>> -> memref<40xi32, #tpu.memory_space<vmem>>
      %dma_wait3A_598 = arith.constant 0 : i32
      %dma_wait3A_599 = arith.constant 0 : i32
      %dma_wait3A_600 = tpu.memref_slice %arg10[%dma_wait3A_598, %dma_wait3A_599] : memref<50048x24xf32, #tpu.memory_space<vmem_shared>> -> memref<50048x24xf32, #tpu.memory_space<vmem_shared>>
      tpu.wait_indirect_dma semaphore(%arg12 : memref<!tpu.dma_semaphore, #tpu.memory_space<semaphore_mem>>) src(%dma_wait3A_594 : memref<40x24xf32, #tpu.memory_space<vmem>>) dst(%dma_wait3A_600 : memref<50048x24xf32, #tpu.memory_space<vmem_shared>>)
      %dma_wait3A_601 = arith.constant 17 : i32
      %dma_wait3A_602 = arith.constant 680 : i32
      %dma_wait3A_603 = arith.constant 0 : i32
      %dma_wait3A_604 = tpu.memref_slice %arg9[%dma_wait3A_602, %dma_wait3A_603] : memref<1008x24xf32, #tpu.memory_space<vmem>> -> memref<40x24xf32, #tpu.memory_space<vmem>>
      %dma_wait3A_605 = arith.constant 0 : i32
      %dma_wait3A_606 = tpu.memref_slice %arg6[%dma_wait3A_601, %dma_wait3A_605] : memref<25x40xi32, #tpu.memory_space<vmem>> -> memref<1x40xi32, #tpu.memory_space<vmem>>
      %dma_wait3A_607 = tpu.memref_squeeze %dma_wait3A_606 : memref<1x40xi32, #tpu.memory_space<vmem>> -> memref<40xi32, #tpu.memory_space<vmem>>
      %dma_wait3A_608 = arith.constant 0 : i32
      %dma_wait3A_609 = arith.constant 0 : i32
      %dma_wait3A_610 = tpu.memref_slice %arg10[%dma_wait3A_608, %dma_wait3A_609] : memref<50048x24xf32, #tpu.memory_space<vmem_shared>> -> memref<50048x24xf32, #tpu.memory_space<vmem_shared>>
      tpu.wait_indirect_dma semaphore(%arg12 : memref<!tpu.dma_semaphore, #tpu.memory_space<semaphore_mem>>) src(%dma_wait3A_604 : memref<40x24xf32, #tpu.memory_space<vmem>>) dst(%dma_wait3A_610 : memref<50048x24xf32, #tpu.memory_space<vmem_shared>>)
      %dma_wait3A_611 = arith.constant 18 : i32
      %dma_wait3A_612 = arith.constant 720 : i32
      %dma_wait3A_613 = arith.constant 0 : i32
      %dma_wait3A_614 = tpu.memref_slice %arg9[%dma_wait3A_612, %dma_wait3A_613] : memref<1008x24xf32, #tpu.memory_space<vmem>> -> memref<40x24xf32, #tpu.memory_space<vmem>>
      %dma_wait3A_615 = arith.constant 0 : i32
      %dma_wait3A_616 = tpu.memref_slice %arg6[%dma_wait3A_611, %dma_wait3A_615] : memref<25x40xi32, #tpu.memory_space<vmem>> -> memref<1x40xi32, #tpu.memory_space<vmem>>
      %dma_wait3A_617 = tpu.memref_squeeze %dma_wait3A_616 : memref<1x40xi32, #tpu.memory_space<vmem>> -> memref<40xi32, #tpu.memory_space<vmem>>
      %dma_wait3A_618 = arith.constant 0 : i32
      %dma_wait3A_619 = arith.constant 0 : i32
      %dma_wait3A_620 = tpu.memref_slice %arg10[%dma_wait3A_618, %dma_wait3A_619] : memref<50048x24xf32, #tpu.memory_space<vmem_shared>> -> memref<50048x24xf32, #tpu.memory_space<vmem_shared>>
      tpu.wait_indirect_dma semaphore(%arg12 : memref<!tpu.dma_semaphore, #tpu.memory_space<semaphore_mem>>) src(%dma_wait3A_614 : memref<40x24xf32, #tpu.memory_space<vmem>>) dst(%dma_wait3A_620 : memref<50048x24xf32, #tpu.memory_space<vmem_shared>>)
      %dma_wait3A_621 = arith.constant 19 : i32
      %dma_wait3A_622 = arith.constant 760 : i32
      %dma_wait3A_623 = arith.constant 0 : i32
      %dma_wait3A_624 = tpu.memref_slice %arg9[%dma_wait3A_622, %dma_wait3A_623] : memref<1008x24xf32, #tpu.memory_space<vmem>> -> memref<40x24xf32, #tpu.memory_space<vmem>>
      %dma_wait3A_625 = arith.constant 0 : i32
      %dma_wait3A_626 = tpu.memref_slice %arg6[%dma_wait3A_621, %dma_wait3A_625] : memref<25x40xi32, #tpu.memory_space<vmem>> -> memref<1x40xi32, #tpu.memory_space<vmem>>
      %dma_wait3A_627 = tpu.memref_squeeze %dma_wait3A_626 : memref<1x40xi32, #tpu.memory_space<vmem>> -> memref<40xi32, #tpu.memory_space<vmem>>
      %dma_wait3A_628 = arith.constant 0 : i32
      %dma_wait3A_629 = arith.constant 0 : i32
      %dma_wait3A_630 = tpu.memref_slice %arg10[%dma_wait3A_628, %dma_wait3A_629] : memref<50048x24xf32, #tpu.memory_space<vmem_shared>> -> memref<50048x24xf32, #tpu.memory_space<vmem_shared>>
      tpu.wait_indirect_dma semaphore(%arg12 : memref<!tpu.dma_semaphore, #tpu.memory_space<semaphore_mem>>) src(%dma_wait3A_624 : memref<40x24xf32, #tpu.memory_space<vmem>>) dst(%dma_wait3A_630 : memref<50048x24xf32, #tpu.memory_space<vmem_shared>>)
      %dma_wait3A_631 = arith.constant 20 : i32
      %dma_wait3A_632 = arith.constant 800 : i32
      %dma_wait3A_633 = arith.constant 0 : i32
      %dma_wait3A_634 = tpu.memref_slice %arg9[%dma_wait3A_632, %dma_wait3A_633] : memref<1008x24xf32, #tpu.memory_space<vmem>> -> memref<40x24xf32, #tpu.memory_space<vmem>>
      %dma_wait3A_635 = arith.constant 0 : i32
      %dma_wait3A_636 = tpu.memref_slice %arg6[%dma_wait3A_631, %dma_wait3A_635] : memref<25x40xi32, #tpu.memory_space<vmem>> -> memref<1x40xi32, #tpu.memory_space<vmem>>
      %dma_wait3A_637 = tpu.memref_squeeze %dma_wait3A_636 : memref<1x40xi32, #tpu.memory_space<vmem>> -> memref<40xi32, #tpu.memory_space<vmem>>
      %dma_wait3A_638 = arith.constant 0 : i32
      %dma_wait3A_639 = arith.constant 0 : i32
      %dma_wait3A_640 = tpu.memref_slice %arg10[%dma_wait3A_638, %dma_wait3A_639] : memref<50048x24xf32, #tpu.memory_space<vmem_shared>> -> memref<50048x24xf32, #tpu.memory_space<vmem_shared>>
      tpu.wait_indirect_dma semaphore(%arg12 : memref<!tpu.dma_semaphore, #tpu.memory_space<semaphore_mem>>) src(%dma_wait3A_634 : memref<40x24xf32, #tpu.memory_space<vmem>>) dst(%dma_wait3A_640 : memref<50048x24xf32, #tpu.memory_space<vmem_shared>>)
      %dma_wait3A_641 = arith.constant 21 : i32
      %dma_wait3A_642 = arith.constant 840 : i32
      %dma_wait3A_643 = arith.constant 0 : i32
      %dma_wait3A_644 = tpu.memref_slice %arg9[%dma_wait3A_642, %dma_wait3A_643] : memref<1008x24xf32, #tpu.memory_space<vmem>> -> memref<40x24xf32, #tpu.memory_space<vmem>>
      %dma_wait3A_645 = arith.constant 0 : i32
      %dma_wait3A_646 = tpu.memref_slice %arg6[%dma_wait3A_641, %dma_wait3A_645] : memref<25x40xi32, #tpu.memory_space<vmem>> -> memref<1x40xi32, #tpu.memory_space<vmem>>
      %dma_wait3A_647 = tpu.memref_squeeze %dma_wait3A_646 : memref<1x40xi32, #tpu.memory_space<vmem>> -> memref<40xi32, #tpu.memory_space<vmem>>
      %dma_wait3A_648 = arith.constant 0 : i32
      %dma_wait3A_649 = arith.constant 0 : i32
      %dma_wait3A_650 = tpu.memref_slice %arg10[%dma_wait3A_648, %dma_wait3A_649] : memref<50048x24xf32, #tpu.memory_space<vmem_shared>> -> memref<50048x24xf32, #tpu.memory_space<vmem_shared>>
      tpu.wait_indirect_dma semaphore(%arg12 : memref<!tpu.dma_semaphore, #tpu.memory_space<semaphore_mem>>) src(%dma_wait3A_644 : memref<40x24xf32, #tpu.memory_space<vmem>>) dst(%dma_wait3A_650 : memref<50048x24xf32, #tpu.memory_space<vmem_shared>>)
      %dma_wait3A_651 = arith.constant 22 : i32
      %dma_wait3A_652 = arith.constant 880 : i32
      %dma_wait3A_653 = arith.constant 0 : i32
      %dma_wait3A_654 = tpu.memref_slice %arg9[%dma_wait3A_652, %dma_wait3A_653] : memref<1008x24xf32, #tpu.memory_space<vmem>> -> memref<40x24xf32, #tpu.memory_space<vmem>>
      %dma_wait3A_655 = arith.constant 0 : i32
      %dma_wait3A_656 = tpu.memref_slice %arg6[%dma_wait3A_651, %dma_wait3A_655] : memref<25x40xi32, #tpu.memory_space<vmem>> -> memref<1x40xi32, #tpu.memory_space<vmem>>
      %dma_wait3A_657 = tpu.memref_squeeze %dma_wait3A_656 : memref<1x40xi32, #tpu.memory_space<vmem>> -> memref<40xi32, #tpu.memory_space<vmem>>
      %dma_wait3A_658 = arith.constant 0 : i32
      %dma_wait3A_659 = arith.constant 0 : i32
      %dma_wait3A_660 = tpu.memref_slice %arg10[%dma_wait3A_658, %dma_wait3A_659] : memref<50048x24xf32, #tpu.memory_space<vmem_shared>> -> memref<50048x24xf32, #tpu.memory_space<vmem_shared>>
      tpu.wait_indirect_dma semaphore(%arg12 : memref<!tpu.dma_semaphore, #tpu.memory_space<semaphore_mem>>) src(%dma_wait3A_654 : memref<40x24xf32, #tpu.memory_space<vmem>>) dst(%dma_wait3A_660 : memref<50048x24xf32, #tpu.memory_space<vmem_shared>>)
      %dma_wait3A_661 = arith.constant 23 : i32
      %dma_wait3A_662 = arith.constant 920 : i32
      %dma_wait3A_663 = arith.constant 0 : i32
      %dma_wait3A_664 = tpu.memref_slice %arg9[%dma_wait3A_662, %dma_wait3A_663] : memref<1008x24xf32, #tpu.memory_space<vmem>> -> memref<40x24xf32, #tpu.memory_space<vmem>>
      %dma_wait3A_665 = arith.constant 0 : i32
      %dma_wait3A_666 = tpu.memref_slice %arg6[%dma_wait3A_661, %dma_wait3A_665] : memref<25x40xi32, #tpu.memory_space<vmem>> -> memref<1x40xi32, #tpu.memory_space<vmem>>
      %dma_wait3A_667 = tpu.memref_squeeze %dma_wait3A_666 : memref<1x40xi32, #tpu.memory_space<vmem>> -> memref<40xi32, #tpu.memory_space<vmem>>
      %dma_wait3A_668 = arith.constant 0 : i32
      %dma_wait3A_669 = arith.constant 0 : i32
      %dma_wait3A_670 = tpu.memref_slice %arg10[%dma_wait3A_668, %dma_wait3A_669] : memref<50048x24xf32, #tpu.memory_space<vmem_shared>> -> memref<50048x24xf32, #tpu.memory_space<vmem_shared>>
      tpu.wait_indirect_dma semaphore(%arg12 : memref<!tpu.dma_semaphore, #tpu.memory_space<semaphore_mem>>) src(%dma_wait3A_664 : memref<40x24xf32, #tpu.memory_space<vmem>>) dst(%dma_wait3A_670 : memref<50048x24xf32, #tpu.memory_space<vmem_shared>>)
      %dma_wait3A_671 = arith.constant 24 : i32
      %dma_wait3A_672 = arith.constant 960 : i32
      %dma_wait3A_673 = arith.constant 0 : i32
      %dma_wait3A_674 = tpu.memref_slice %arg9[%dma_wait3A_672, %dma_wait3A_673] : memref<1008x24xf32, #tpu.memory_space<vmem>> -> memref<40x24xf32, #tpu.memory_space<vmem>>
      %dma_wait3A_675 = arith.constant 0 : i32
      %dma_wait3A_676 = tpu.memref_slice %arg6[%dma_wait3A_671, %dma_wait3A_675] : memref<25x40xi32, #tpu.memory_space<vmem>> -> memref<1x40xi32, #tpu.memory_space<vmem>>
      %dma_wait3A_677 = tpu.memref_squeeze %dma_wait3A_676 : memref<1x40xi32, #tpu.memory_space<vmem>> -> memref<40xi32, #tpu.memory_space<vmem>>
      %dma_wait3A_678 = arith.constant 0 : i32
      %dma_wait3A_679 = arith.constant 0 : i32
      %dma_wait3A_680 = tpu.memref_slice %arg10[%dma_wait3A_678, %dma_wait3A_679] : memref<50048x24xf32, #tpu.memory_space<vmem_shared>> -> memref<50048x24xf32, #tpu.memory_space<vmem_shared>>
      tpu.wait_indirect_dma semaphore(%arg12 : memref<!tpu.dma_semaphore, #tpu.memory_space<semaphore_mem>>) src(%dma_wait3A_674 : memref<40x24xf32, #tpu.memory_space<vmem>>) dst(%dma_wait3A_680 : memref<50048x24xf32, #tpu.memory_space<vmem_shared>>)
      %jit3A_681 = arith.constant 40 : i32
      %div3A_682 = arith.divsi %min3A, %jit3A_681 : i32
      %sign3A_683 = arith.constant 0 : i32
      %sign3A_684 = arith.cmpi sgt, %min3A, %sign3A_683 : i32
      %sign3A_685 = arith.extui %sign3A_684 : i1 to i32
      %sign3A_686 = arith.constant 0 : i32
      %sign3A_687 = arith.cmpi slt, %min3A, %sign3A_686 : i32
      %sign3A_688 = arith.extui %sign3A_687 : i1 to i32
      %sign3A_689 = arith.subi %sign3A_685, %sign3A_688 : i32
      %sign3A_690 = arith.constant 0 : i32
      %sign3A_691 = arith.cmpi sgt, %jit3A_681, %sign3A_690 : i32
      %sign3A_692 = arith.extui %sign3A_691 : i1 to i32
      %sign3A_693 = arith.constant 0 : i32
      %sign3A_694 = arith.cmpi slt, %jit3A_681, %sign3A_693 : i32
      %sign3A_695 = arith.extui %sign3A_694 : i1 to i32
      %sign3A_696 = arith.subi %sign3A_692, %sign3A_695 : i32
      %ne3A_697 = arith.cmpi ne, %sign3A_689, %sign3A_696 : i32
      %rem3A_698 = arith.remsi %min3A, %jit3A_681 : i32
      %ne3A_699 = arith.constant 0 : i32
      %ne3A_700 = arith.cmpi ne, %rem3A_698, %ne3A_699 : i32
      %and3A_701 = arith.andi %ne3A_697, %ne3A_700 : i1
      %sub3A_702 = arith.constant 1 : i32
      %sub3A_703 = arith.subi %div3A_682, %sub3A_702 : i32
      %select_n3A_704 = arith.select %and3A_701, %sub3A_703, %div3A_682 : i32
      %dma_start3A_705 = arith.constant 0 : i32
      %dma_start3A_706 = tpu.memref_slice %arg3[%select_n3A_704, %dma_start3A_705] : memref<20000x40xi32, #tpu.memory_space<hbm>> -> memref<25x40xi32, #tpu.memory_space<hbm>>
      %dma_start3A_707 = arith.constant 0 : i32
      %dma_start3A_708 = tpu.memref_slice %arg3[%select_n3A_704, %dma_start3A_707] : memref<20000x40xi32, #tpu.memory_space<hbm>> -> memref<25x40xi32, #tpu.memory_space<hbm>>
      tpu.enqueue_dma source(%dma_start3A_708 : memref<25x40xi32, #tpu.memory_space<hbm>>) target(%arg6 : memref<25x40xi32, #tpu.memory_space<vmem>>) target_semaphore(%arg11 : memref<!tpu.dma_semaphore, #tpu.memory_space<semaphore_mem>>)
    }
    %scan3A_62 = arith.constant 25 : i32
    %dma_wait3A = arith.constant 0 : i32
    %dma_wait3A_63 = tpu.memref_slice %arg7[%dma_wait3A] : memref<1008xf32, #tpu.memory_space<vmem>> -> memref<1000xf32, #tpu.memory_space<vmem>>
    %dma_wait3A_64 = tpu.memref_slice %arg4[%add3A_21] : memref<800000xf32, #tpu.memory_space<hbm>> -> memref<1000xf32, #tpu.memory_space<hbm>>
    %dma_wait3A_65 = arith.constant 0 : i32
    %dma_wait3A_66 = tpu.memref_slice %arg7[%dma_wait3A_65] : memref<1008xf32, #tpu.memory_space<vmem>> -> memref<1000xf32, #tpu.memory_space<vmem>>
    %dma_wait3A_67 = tpu.memref_slice %arg4[%add3A_21] : memref<800000xf32, #tpu.memory_space<hbm>> -> memref<1000xf32, #tpu.memory_space<hbm>>
    tpu.wait_dma2 semaphore(%arg11 : memref<!tpu.dma_semaphore, #tpu.memory_space<semaphore_mem>>) src(%dma_wait3A_67 : memref<1000xf32, #tpu.memory_space<hbm>>) dst(%dma_wait3A_66 : memref<1000xf32, #tpu.memory_space<vmem>>)
    %dma_wait3A_68 = arith.constant 0 : i32
    %dma_wait3A_69 = arith.constant 0 : i32
    %dma_wait3A_70 = tpu.memref_slice %arg8[%dma_wait3A_68, %dma_wait3A_69] : memref<1008x16xf32, #tpu.memory_space<vmem>> -> memref<1000x16xf32, #tpu.memory_space<vmem>>
    %dma_wait3A_71 = arith.constant 0 : i32
    %dma_wait3A_72 = tpu.memref_slice %arg2[%add3A_21, %dma_wait3A_71] : memref<800000x16xf32, #tpu.memory_space<hbm>> -> memref<1000x16xf32, #tpu.memory_space<hbm>>
    %dma_wait3A_73 = arith.constant 0 : i32
    %dma_wait3A_74 = arith.constant 0 : i32
    %dma_wait3A_75 = tpu.memref_slice %arg8[%dma_wait3A_73, %dma_wait3A_74] : memref<1008x16xf32, #tpu.memory_space<vmem>> -> memref<1000x16xf32, #tpu.memory_space<vmem>>
    %dma_wait3A_76 = arith.constant 0 : i32
    %dma_wait3A_77 = tpu.memref_slice %arg2[%add3A_21, %dma_wait3A_76] : memref<800000x16xf32, #tpu.memory_space<hbm>> -> memref<1000x16xf32, #tpu.memory_space<hbm>>
    tpu.wait_dma2 semaphore(%arg11 : memref<!tpu.dma_semaphore, #tpu.memory_space<semaphore_mem>>) src(%dma_wait3A_77 : memref<1000x16xf32, #tpu.memory_space<hbm>>) dst(%dma_wait3A_75 : memref<1000x16xf32, #tpu.memory_space<vmem>>)
    %jit3A_78 = arith.constant 40 : i32
    %div3A_79 = arith.divsi %add3A_21, %jit3A_78 : i32
    %sign3A_80 = arith.constant 0 : i32
    %sign3A_81 = arith.cmpi sgt, %add3A_21, %sign3A_80 : i32
    %sign3A_82 = arith.extui %sign3A_81 : i1 to i32
    %sign3A_83 = arith.constant 0 : i32
    %sign3A_84 = arith.cmpi slt, %add3A_21, %sign3A_83 : i32
    %sign3A_85 = arith.extui %sign3A_84 : i1 to i32
    %sign3A_86 = arith.subi %sign3A_82, %sign3A_85 : i32
    %sign3A_87 = arith.constant 0 : i32
    %sign3A_88 = arith.cmpi sgt, %jit3A_78, %sign3A_87 : i32
    %sign3A_89 = arith.extui %sign3A_88 : i1 to i32
    %sign3A_90 = arith.constant 0 : i32
    %sign3A_91 = arith.cmpi slt, %jit3A_78, %sign3A_90 : i32
    %sign3A_92 = arith.extui %sign3A_91 : i1 to i32
    %sign3A_93 = arith.subi %sign3A_89, %sign3A_92 : i32
    %ne3A_94 = arith.cmpi ne, %sign3A_86, %sign3A_93 : i32
    %rem3A_95 = arith.remsi %add3A_21, %jit3A_78 : i32
    %ne3A_96 = arith.constant 0 : i32
    %ne3A_97 = arith.cmpi ne, %rem3A_95, %ne3A_96 : i32
    %and3A_98 = arith.andi %ne3A_94, %ne3A_97 : i1
    %sub3A_99 = arith.constant 1 : i32
    %sub3A_100 = arith.subi %div3A_79, %sub3A_99 : i32
    %select_n3A_101 = arith.select %and3A_98, %sub3A_100, %div3A_79 : i32
    %dma_wait3A_102 = arith.constant 0 : i32
    %dma_wait3A_103 = tpu.memref_slice %arg3[%select_n3A_101, %dma_wait3A_102] : memref<20000x40xi32, #tpu.memory_space<hbm>> -> memref<25x40xi32, #tpu.memory_space<hbm>>
    %dma_wait3A_104 = arith.constant 0 : i32
    %dma_wait3A_105 = tpu.memref_slice %arg3[%select_n3A_101, %dma_wait3A_104] : memref<20000x40xi32, #tpu.memory_space<hbm>> -> memref<25x40xi32, #tpu.memory_space<hbm>>
    tpu.wait_dma2 semaphore(%arg11 : memref<!tpu.dma_semaphore, #tpu.memory_space<semaphore_mem>>) src(%dma_wait3A_105 : memref<25x40xi32, #tpu.memory_space<hbm>>) dst(%arg6 : memref<25x40xi32, #tpu.memory_space<vmem>>)
    %barrier3A_106 = arith.constant 0 : index
    tpu.barrier barrier_id(%barrier3A_106)
    "tpu.region"() ({
      %run_scoped3A = tpu.sem_alloc : memref<!tpu.dma_semaphore, #tpu.memory_space<semaphore_mem>>
      %dma_start3A_107 = arith.constant 0 : i32
      %dma_start3A_108 = tpu.memref_slice %arg5[%arg0, %mul3A_7, %dma_start3A_107] : memref<2x50048x24xf32, #tpu.memory_space<hbm>> -> memref<1x3128x24xf32, #tpu.memory_space<hbm>>
      %dma_start3A_109 = tpu.memref_squeeze %dma_start3A_108 : memref<1x3128x24xf32, #tpu.memory_space<hbm>> -> memref<3128x24xf32, #tpu.memory_space<hbm>>
      %dma_start3A_110 = arith.constant 0 : i32
      %dma_start3A_111 = tpu.memref_slice %arg10[%mul3A_7, %dma_start3A_110] : memref<50048x24xf32, #tpu.memory_space<vmem_shared>> -> memref<3128x24xf32, #tpu.memory_space<vmem_shared>>
      tpu.enqueue_dma source(%dma_start3A_111 : memref<3128x24xf32, #tpu.memory_space<vmem_shared>>) target(%dma_start3A_109 : memref<3128x24xf32, #tpu.memory_space<hbm>>) target_semaphore(%run_scoped3A : memref<!tpu.dma_semaphore, #tpu.memory_space<semaphore_mem>>)
      %dma_wait3A_112 = arith.constant 0 : i32
      %dma_wait3A_113 = tpu.memref_slice %arg5[%arg0, %mul3A_7, %dma_wait3A_112] : memref<2x50048x24xf32, #tpu.memory_space<hbm>> -> memref<1x3128x24xf32, #tpu.memory_space<hbm>>
      %dma_wait3A_114 = tpu.memref_squeeze %dma_wait3A_113 : memref<1x3128x24xf32, #tpu.memory_space<hbm>> -> memref<3128x24xf32, #tpu.memory_space<hbm>>
      %dma_wait3A_115 = arith.constant 0 : i32
      %dma_wait3A_116 = tpu.memref_slice %arg10[%mul3A_7, %dma_wait3A_115] : memref<50048x24xf32, #tpu.memory_space<vmem_shared>> -> memref<3128x24xf32, #tpu.memory_space<vmem_shared>>
      tpu.wait_dma2 semaphore(%run_scoped3A : memref<!tpu.dma_semaphore, #tpu.memory_space<semaphore_mem>>) src(%dma_wait3A_116 : memref<3128x24xf32, #tpu.memory_space<vmem_shared>>) dst(%dma_wait3A_114 : memref<3128x24xf32, #tpu.memory_space<hbm>>)
      tpu.yield
    }) : () -> ()
    return
  }
}

module attributes {stable_mosaic.version = 14 : i64} {
  func.func @_tc_finish_body(%arg0: i32, %arg1: memref<2x2000x24xf32, #tpu.memory_space<vmem>>, %arg2: memref<128x16xf32, #tpu.memory_space<vmem>>, %arg3: memref<2000x128xf32, #tpu.memory_space<vmem>>) attributes {dimension_semantics = [#tpu.dimension_semantics<arbitrary>], iteration_bounds = array<i64: 25>, scalar_prefetch = 0 : i64, scratch_operands = 0 : i64, tpu.core_type = #tpu.core_type<tc>, window_params = [{transform_indices = @transform_0, window_bounds = array<i64: 2, 2000, 24>}, {pipeline_mode = #tpu.pipeline_mode<synchronous>, transform_indices = @transform_1, window_bounds = array<i64: 128, 16>}, {transform_indices = @transform_2, window_bounds = array<i64: 2000, 128>}]} {
    %get3A = arith.constant 0 : index
    %get3A_0 = arith.constant 0 : index
    %get3A_1 = arith.constant 0 : index
    %get3A_2 = vector.load %arg1[%get3A, %get3A_0, %get3A_1] : memref<2x2000x24xf32, #tpu.memory_space<vmem>>, vector<1x2000x24xf32>
    %get3A_3 = vector.shape_cast %get3A_2 : vector<1x2000x24xf32> to vector<2000x24xf32>
    %get3A_4 = arith.constant 1 : index
    %get3A_5 = arith.constant 0 : index
    %get3A_6 = arith.constant 0 : index
    %get3A_7 = vector.load %arg1[%get3A_4, %get3A_5, %get3A_6] : memref<2x2000x24xf32, #tpu.memory_space<vmem>>, vector<1x2000x24xf32>
    %get3A_8 = vector.shape_cast %get3A_7 : vector<1x2000x24xf32> to vector<2000x24xf32>
    %add3A = arith.addf %get3A_3, %get3A_8 : vector<2000x24xf32>
    %slice3A = vector.extract_strided_slice %add3A {offsets = [0, 0], sizes = [2000, 16], strides = [1, 1]} : vector<2000x24xf32> to vector<2000x16xf32>
    %slice3A_9 = vector.extract_strided_slice %add3A {offsets = [0, 16], sizes = [2000, 1], strides = [1, 1]} : vector<2000x24xf32> to vector<2000x1xf32>
    %get3A_10 = arith.constant 0 : index
    %get3A_11 = arith.constant 0 : index
    %get3A_12 = vector.load %arg2[%get3A_10, %get3A_11] : memref<128x16xf32, #tpu.memory_space<vmem>>, vector<128x16xf32>
    %dot_general3A = arith.constant dense<0.000000e+00> : vector<2000x128xf32>
    %dot_general3A_13 = tpu.matmul %slice3A, %get3A_12, %dot_general3A {dimension_numbers = #tpu.dot_dimension_numbers<[1], [1], [0], [0], [0, 0, 1, 0], [], []>, transpose_lhs_hint = false} : vector<2000x16xf32>, vector<128x16xf32>, vector<2000x128xf32> -> vector<2000x128xf32>
    %div3A = vector.broadcast %slice3A_9 : vector<2000x1xf32> to vector<2000x128xf32>
    %div3A_14 = arith.divf %dot_general3A_13, %div3A : vector<2000x128xf32>
    %swap3A = arith.constant 0 : index
    %swap3A_15 = arith.constant 0 : index
    %swap3A_16 = vector.load %arg3[%swap3A, %swap3A_15] : memref<2000x128xf32, #tpu.memory_space<vmem>>, vector<2000x128xf32>
    tpu.vector_store %arg3[%swap3A, %swap3A_15], %div3A_14 {strides = array<i32>} : memref<2000x128xf32, #tpu.memory_space<vmem>>, vector<2000x128xf32>,
    return
  }
  func.func @transform_0(%arg0: i32) -> (i32, i32, i32) {
    %c0_i32 = arith.constant 0 : i32
    %c0_i32_0 = arith.constant 0 : i32
    %c0_i32_1 = arith.constant 0 : i32
    return %c0_i32, %arg0, %c0_i32_0 : i32, i32, i32
  }
  func.func @transform_1(%arg0: i32) -> (i32, i32) {
    %c0_i32 = arith.constant 0 : i32
    %c0_i32_0 = arith.constant 0 : i32
    %c0_i32_1 = arith.constant 0 : i32
    return %c0_i32, %c0_i32_0 : i32, i32
  }
  func.func @transform_2(%arg0: i32) -> (i32, i32) {
    %c0_i32 = arith.constant 0 : i32
    %c0_i32_0 = arith.constant 0 : i32
    return %arg0, %c0_i32 : i32, i32
  }
}

</mosaic_0001>

<sc_bundles>
// kernel: kernel.4.cloned.1.call-start
scs
__scs_entry_jumppad:
0x0: {  	(pc) =	sbr.rel $0x88, $3  }
0x1: {  	(tag) =	ssettag $0x0;
	lr =	simm.s32 $0x1  }
0x2: {  	[smem:$0x3F9D] =	sst lr;
	_ =	strace $0xD0000000  }
0x3: {  	_ = 	snop  }
0x4: {  	_ = 	snop  }
0x5: {  	_ = 	snop  }
0x6: {  	_ = 	snop  }
0x7: {  	_ = 	snop  }
__scs_overlays_trampoline_lowered:
0x8: {  	[smem:$0x3FAC] =	sst s0  }
0x9: {  	[smem:$0x3FAD] =	sst s1  }
0xa: {  	[smem:$0x3FAE] =	sst s2  }
0xb: {  	[smem:$0x3FAF] =	sst s3  }
0xc: {  	[smem:$0x3FB0] =	sst s4  }
0xd: {  	[smem:$0x3FB1] =	sst s5  }
0xe: {  	[smem:$0x3FB2] =	sst s6  }
0xf: {  	[smem:$0x3FB3] =	sst s7  }
0x10: {  	[smem:$0x3FB4] =	sst s8  }
0x11: {  	[smem:$0x3FB5] =	sst s9;
	s0 =	simm.s32 @!p0 $0x0  }
0x12: {  	s1 =	sld [smem:$0x3F9B];
	s0 =	simm.s32 @p0 $0x1  }
0x13: {  	[smem:$0x3FB6] =	sst s0;
	s0 =	simm.s32 @!p1 $0x0  }
0x14: {  	s2 =	sld [smem:$0x3F9A];
	s0 =	simm.s32 @p1 $0x1  }
0x15: {  	[smem:$0x3FB7] =	sst s0;
	s0 =	simm.s32 @!p2 $0x0  }
0x16: {  	s3 =	sld [smem:$0x3FDB];
	s0 =	simm.s32 @p2 $0x1  }
0x17: {  	s4 =	simm.s32 $0x1BF5;
	[smem:$0x3FB9] =	sst s0  }
0x18: {  	s0 =	sld [smem:$0x3F9C];
	_ =	swait.ge [sflag:s4], $0x0  }
0x19: {  	s7 =	sld [smem:$0x3F9D]  }
0x1a: {  	s8 =	sadd.s32 $0xFFFFE003, lr  }
0x1b: {  	s9 =	sadd.s32 $0xFFFFFEF7, lr;
	s5 =	simm.s32 $0xFFFFFFFF;
	p2 =	slt.u32 s8, $0xFFFFF086  }
0x1c: {  	p1 =	slt.u32 s9, $0xF7A;
	s5 =	simm.s32 @!p2 $0x0  }
0x1d: {  	s5 =	simm.s32 @p1 $0x1;
	p0 =	seq.s32 s7, s2  }
0x1e: {  	s7 =	smul.u32 @!p0 $0xF7A, s2;
	p2 =	seq.s32 @!p0 s5, $0x0  }
0x1f: {  	s9 =	smul.u32 $0xF7A, s1;
	s8 =	simm.s32 @!p0 $0x1BF5;
	p2 =	por !p2, p0  }
0x20: {  	[sflag:s8] =	ssyncset.s32 @!p0 $0xFFFFF086;
	s6 =	sadd.s32 @!p0 s3, s7;
	s7 =	simm.s32 @!p0 $0x108  }
0x21: {  	s3 =	sadd.s32 s3, s9;
	s6 =	sadd.s32 @!p0 $0x88, s6;
	s7 =	simm.s32 @p2 $0x1082  }
0x22: {  	[simem:s7], [sflag:s8] =	dma.local @!p0 [hbm:s6], $0xF7A  }
0x23: {  	s9 =	sor.u32 $0xD0000000, s2;
	s6 =	simm.s32 $0x108;
	_ =	swait.ge @!p0 [sflag:s8], $0x0  }
0x24: {  	s3 =	sadd.s32 $0x88, s3;
	s6 =	simm.s32 @!p1 $0x1082;
	[sflag:s4] =	ssyncset.s32 $0xFFFFF086  }
0x25: {  	[simem:s6], [sflag:s4] =	dma.local [hbm:s3], $0xF7A  }
0x26: {  	[smem:$0x3F9D] =	sst s1;
	(tag) =	ssettag s2;
	_ =	strace s9  }
0x27: {  	s1 =	sld [smem:$0x3FAD]  }
0x28: {  	s2 =	sld [smem:$0x3FAE]  }
0x29: {  	s4 =	sld [smem:$0x3FB0]  }
0x2a: {  	p0 =	seq.s32 s5, $0x0;
	s5 =	sld [smem:$0x3FB1]  }
0x2b: {  	s6 =	sld [smem:$0x3FB2]  }
0x2c: {  	s7 =	sld [smem:$0x3FB3]  }
0x2d: {  	s3 =	simm.s32 $0x108;
	s8 =	sld [smem:$0x3FB4]  }
0x2e: {  	s3 =	simm.s32 @!p0 $0x1082;
	s9 =	sld [smem:$0x3FB5]  }
0x2f: {  	lr =	sadd.s32 s0, s3;
	s0 =	sld [smem:$0x3FAC]  }
0x30: {  	s3 =	sld [smem:$0x3FAF]  }
0x31: {  	[smem:$0x3FB8] =	sst s10  }
0x32: {  	s10 =	sld [smem:$0x3FB6];
	_ =	sdelay $0x3  }
0x33: {  	p0 =	seq.s32 s10, $0x1;
	s10 =	sld [smem:$0x3FB8];
	_ =	sdelay $0x3  }
0x34: {  	[smem:$0x3FB8] =	sst s10  }
0x35: {  	s10 =	sld [smem:$0x3FB7];
	_ =	sdelay $0x3  }
0x36: {  	p1 =	seq.s32 s10, $0x1;
	s10 =	sld [smem:$0x3FB8];
	_ =	sdelay $0x3  }
0x37: {  	[smem:$0x3FB8] =	sst s10  }
0x38: {  	s10 =	sld [smem:$0x3FB9]  }
0x39: {  	_ = 	snop;
	(pc) =	sbr.ind lr, $3  }
0x3a: {  	_ = 	snop  }
0x3b: {  	_ = 	snop  }
0x3c: {  	p2 =	seq.s32 s10, $0x1;
	s10 =	sld [smem:$0x3FB8]  }
0x3d: {  	_ =	shalt  }
0x3e: {  	_ =	shalt  }
0x3f: {  	_ =	shalt  }
0x40: {  	_ =	shalt  }
0x41: {  	_ =	shalt  }
0x42: {  	_ =	shalt  }
0x43: {  	_ =	shalt  }
0x44: {  	_ =	shalt  }
0x45: {  	_ =	shalt  }
0x46: {  	_ =	shalt  }
0x47: {  	_ =	shalt  }
0x48: {  	_ =	shalt  }
0x49: {  	_ =	shalt  }
0x4a: {  	_ =	shalt  }
0x4b: {  	_ =	shalt  }
0x4c: {  	_ =	shalt  }
0x4d: {  	_ =	shalt  }
0x4e: {  	_ =	shalt  }
0x4f: {  	_ =	shalt  }
0x50: {  	_ =	shalt  }
0x51: {  	_ =	shalt  }
0x52: {  	_ =	shalt  }
0x53: {  	_ =	shalt  }
0x54: {  	_ =	shalt  }
0x55: {  	_ =	shalt  }
0x56: {  	_ =	shalt  }
0x57: {  	_ =	shalt  }
0x58: {  	_ =	shalt  }
0x59: {  	_ =	shalt  }
0x5a: {  	_ =	shalt  }
0x5b: {  	_ =	shalt  }
0x5c: {  	_ =	shalt  }
0x5d: {  	_ =	shalt  }
0x5e: {  	_ =	shalt  }
0x5f: {  	_ =	shalt  }
0x60: {  	_ =	shalt  }
0x61: {  	_ =	shalt  }
0x62: {  	_ =	shalt  }
0x63: {  	_ =	shalt  }
0x64: {  	_ =	shalt  }
0x65: {  	_ =	shalt  }
0x66: {  	_ =	shalt  }
0x67: {  	_ =	shalt  }
0x68: {  	_ =	shalt  }
0x69: {  	_ =	shalt  }
0x6a: {  	_ =	shalt  }
0x6b: {  	_ =	shalt  }
0x6c: {  	_ =	shalt  }
0x6d: {  	_ =	shalt  }
0x6e: {  	_ =	shalt  }
0x6f: {  	_ =	shalt  }
0x70: {  	_ =	shalt  }
0x71: {  	_ =	shalt  }
0x72: {  	_ =	shalt  }
0x73: {  	_ =	shalt  }
0x74: {  	_ =	shalt  }
0x75: {  	_ =	shalt  }
0x76: {  	_ =	shalt  }
0x77: {  	_ =	shalt  }
0x78: {  	_ =	shalt  }
0x79: {  	_ =	shalt  }
0x7a: {  	_ =	shalt  }
0x7b: {  	_ =	shalt  }
0x7c: {  	_ =	shalt  }
0x7d: {  	_ =	shalt  }
0x7e: {  	_ =	shalt  }
0x7f: {  	_ =	shalt  }
0x80: {  	_ =	shalt  }
0x81: {  	_ =	shalt  }
0x82: {  	_ =	shalt  }
0x83: {  	_ =	shalt  }
0x84: {  	_ =	shalt  }
0x85: {  	_ =	shalt  }
0x86: {  	_ =	shalt  }
0x87: {  	_ =	shalt  }
.Lfunc_end0:
.L_simem_size_0:
called_computation_lowered:
.L_overlay_start_0:
0x88: {  	s2 =	sld [smem:$0x3FD9]  }
0x89: {  	s3 =	sld [smem:$0x3FFE];
	_ =	sdelay $0x1  }
0x8a: {  	s1 =	srdreg.scid  }
0x8b: {  	s0 =	sand.u32 $0x1, s1  }
0x8c: {  	s17 =	sshll.u32 s0, $0xA;
	s2 =	sadd.s32 s3, s2  }
0x8d: {  	s2 =	sadd.s32 s2, s17  }
0x8e: {  	[smem:$0x3FC4] =	sst s2  }
0x8f: {  	_ = 	snop  }
0x90: {  	s2 =	sld [smem:$0x3FC8]  }
0x91: {  	s18 =	sld [smem:$0x3FC7]  }
0x92: {  	s4 =	sld [smem:$0x3FD0];
	(tm) =	ssettm $0x1  }
0x93: {  	s5 =	sld [smem:$0x3FFB];
	_ =	sdelay $0x3  }
0x94: {  	_ =	strace s5  }
0x95: {  	s5 =	sld [smem:$0x3FFC];
	_ =	sdelay $0x3  }
0x96: {  	_ =	strace s5  }
0x97: {  	s5 =	sld [smem:$0x3FFD];
	_ =	sdelay $0x3  }
0x98: {  	_ =	strace s5  }
0x99: {  	_ =	strace $0x8FFFFFFF  }
0x9a: {  	s19 =	sld [smem:$0x3FDB];
	_ =	sdelay $0x1  }
0x9b: {  	s6 =	simm.s32 $_scs_section_size  }
0x9c: {  	s7 =	simm.s32 $_size__tile_overlayer_lowered;
	s8 =	simm.s32 $_tile_overlayer_lowered  }
0x9d: {  	s22 =	simm.s32 $0x1BFF;
	s21 =	sshll.u32 s8, $0x1;
	s5 =	sadd.s32 s6, s19  }
0x9e: {  	s9 =	simm.s32 $0x0;
	s20 =	sshll.u32 s7, $0x1;
	s7 =	sadd.s32 s21, s5  }
0x9f: {  	[timem:s9], [sflag:s22] =	dma.local [hbm:s7], s20  }
0xa0: {  	_ =	swait.ge [sflag:s22], s20  }
0xa1: {  	s6 =	ssub.s32 $0x0, s20;
	[sflag:s22] =	ssyncset.done $0x0  }
0xa2: {  	[sflag:s22] =	ssyncadd.s32 s6;
	_ =	sdelay $0x1  }
0xa3: {  	s23 =	simm.s32 $0x1B8B  }
0xa4: {  	_ =	swait.ge [sflag:s23], $0x1  }
0xa5: {  	[sflag:s23] =	ssyncset.done $0x0  }
0xa6: {  	s25 =	simm.s32 $0x1B8E;
	s24 =	sld [smem:$0x3FFE];
	[sflag:s23] =	ssyncadd.s32 $0xFFFFFFFF  }
0xa7: {  	s26 =	simm.s32 $execute0_lowered;
	[smem:$0x3FD2] =	sst s25  }
0xa8: {  	s7 =	sshll.u32 s26, $0x1;
	_ =	strace $0x80000046;
	[dreg:$0x1] =	wrdreg $0xFFFFFFFF  }
0xa9: {  	s28 =	simm.s32 $_size_execute0_lowered;
	s5 =	sadd.s32 s5, s7;
	[dreg:$0x0] =	wrdreg $0x0  }
0xaa: {  	s7 =	sshll.u32 s28, $0x1;
	[dreg:$0x2] =	wrdreg s5  }
0xab: {  	[dreg:$0x3] =	wrdreg s7  }
0xac: {  	[dreg:$0x4] =	wrdreg $0xC0  }
0xad: {  	_ =	task [dreg:s9], $0x5FFFF  }
0xae: {  	[dreg:$0x1] =	wrdreg $0xFFFFFFFF  }
0xaf: {  	[dreg:$0x0] =	wrdreg $0x60  }
0xb0: {  	[dreg:$0x2] =	wrdreg s24  }
0xb1: {  	[dreg:$0x3] =	wrdreg s2  }
0xb2: {  	[dreg:$0x4] =	wrdreg s18  }
0xb3: {  	[dreg:$0x5] =	wrdreg s4  }
0xb4: {  	[dreg:$0x6] =	wrdreg $0xA5580  }
0xb5: {  	[dreg:$0x7] =	wrdreg $0x9  }
0xb6: {  	_ =	task.clear_ibuf [dreg:s9], $0x8FFFF;
	_ =	strace $0x90000046  }
0xb7: {  	s29 =	simm.s32 $0x9;
	_ =	strace $0x80000048  }
0xb8: {  	_ =	swait.ge [sflag:s29], $0x1  }
0xb9: {  	[sflag:s29] =	ssyncadd.s32 $0xFFFFFFFF  }
0xba: {  	_ =	strace $0x90000048  }
0xbb: {  	_ =	sfence  }
0xbc: {  	s30 =	sld [smem:$0x0];
	_ =	sdelay $0x2  }
0xbd: {  	s31 =	sshll.u32 s1, $0xD;
	s1 =	sshrl.u32 s1, $0x2  }
0xbe: {  	s3 =	sand.u32 $0x4000, s31;
	s1 =	sadd.s32 s1, s30  }
0xbf: {  	s0 =	sor.u32 s3, s0;
	s1 =	sshll.u32 s1, $0x11  }
0xc0: {  	s0 =	sor.u32 s1, s0  }
0xc1: {  	s0 =	sadd.s32 $0x8F2B, s0  }
0xc2: {  	[sflag:s0] =	ssyncadd.remote.s32 $0x1  }
0xc3: {  	_ =	sfence.sel $0xFFFF  }
0xc4: {  	[dreg:$0x0] =	wrdreg $0xFFFFFFFF;
	(pc) =	sbr.abs _section_cstart, $3  }
0xc5: {  	[dreg:$0x1] =	wrdreg $0xFFFFFFFF  }
0xc6: {  	_ =	task.clear_ibuf [dreg:s9], $0x2FFFF;
	_ =	strace $0x9FFFFFFF  }
0xc7: {  	(tm) =	ssettm $0x7FFFFFFF  }
tec
execute0_lowered:
.L_overlay_start_1:
0x0: {  	(tag) =	ssettag $0x1  }
0x1: {  	s0 =	rddreg [dreg:$0x0]  }
0x2: {  	s12 =	rddreg [dreg:$0x1]  }
0x3: {  	s13 =	rddreg [dreg:$0x2]  }
0x4: {  	s1 =	rddreg [dreg:$0x3]  }
0x5: {  	s3 =	rddreg [dreg:$0x4];
	s5 =	simm.s32 $0x0  }
0x6: {  	s2 =	srdreg.scid;
	s9 =	stileid.u32;
	s18 =	simm.s32 $0x46D8  }
0x7: {  	s14 =	simm.s32 $0x2F8;
	s16 =	simm.s32 $0x8E18;
	s17 =	simm.s32 $0x320  }
0x8: {  	s20 =	simm.s32 $0x91D8;
	s21 =	simm.s32 $0x9598;
	s19 =	simm.s32 $0x370  }
0x9: {  	[smem:$0x7FF] =	sst s5;
	s2 =	sand.u32 $0x1, s2;
	s7 =	smul.u32 $0x49500, s9  }
0xa: {  	s4 =	ssub.s32 $0x2, s2;
	s8 =	sshll.u32 s2, $0x4;
	s2 =	smul.u32 $0x125400, s2  }
0xb: {  	s6 =	sadd.s32 $0xC35600, s0;
	s8 =	sor.u32 s9, s8;
	s9 =	smul.u32 $0x12540, s9  }
0xc: {  	s28 =	simm.s32 $0x2;
	_ =	strace $0x80000047;
	s24 =	smul.u32 $0x61A8, s8  }
0xd: {  	s22 =	sshrl.u32 s4, $0x1;
	s7 =	sshrl.u32 s7, $0x2;
	s25 =	smul.u32 $0xC350, s8  }
0xe: {  	s0 =	ssub.s32 s4, s22;
	s23 =	sadd.s32 s7, s3;
	s8 =	smul.u32 $0xC35, s8  }
0xf: {  	s22 =	simm.s32 $0x1;
	s7 =	simm.s32 $0x348;
	s10 =	sadd.s32 $0x5DC0, s23  }
0x10: {  	s29 =	sadd.s32 s9, s3;
	s11 =	sadd.s32 $0xBB80, s23;
	[dreg:$0x7] =	wrdreg s10  }
0x11: {  	s4 =	sadd.s32 $0x11940, s23;
	s2 =	sadd.s32 s9, s2;
	[dreg:$0x8] =	wrdreg s11  }
0x12: {  	s0 =	smax.u32 s0, $0x1;
	s23 =	simm.s32 $0x28;
	[dreg:$0x9] =	wrdreg s4  }
0x13: {  	s11 =	sadd.s32 $0x5DC0, s24;
	s26 =	sshrl.u32 s24, $0x3;
	s30 =	sadd.s32 s6, s25  }
0x14: {  	s31 =	sadd.s32 s12, s8;
	s15 =	sadd.s32 $0x3E8, s24;
	s2 =	sshrl.u32 s2, $0x3  }
0x15: {  	[dreg:$0xe] =	wrdreg s0;
	s8 =	simm.s32 $0x3;
	s10 =	simm.s32 $0x8698  }
0x16: {  	s12 =	simm.s32 $0x2D0;
	s24 =	simm.s32 $0x9D18;
	[dreg:$0x6] =	wrdreg s29  }
0x17: {  	s25 =	simm.s32 $0x3C0;
	s4 =	sadd.s32 s13, s26;
	[dreg:$0xb] =	wrdreg s30  }
0x18: {  	[dreg:$0xc] =	wrdreg s31;
	s1 =	sadd.s32 s1, s2;
	s13 =	simm.s32 $0x8A58  }
0x19: {  	s2 =	simm.s32 $0x398;
	s26 =	simm.s32 $0xA0D8;
	[dreg:$0xa] =	wrdreg s4  }
0x1a: {  	v0 =	vimm.f32 $0.0e+00;
	[dreg:$0xd] =	wrdreg s1;
	s1 =	simm.s32 $0x9958;
	s4 =	simm.s32 $0x0  }
.LBB2_1:
0x1b: {  	[dreg:$0xf] =	wrdreg s4;
	s4 =	simm.s32 $0x0  }
0x1c: {  	s0 =	simm.s32 $0x60;
	[tilespmem:s4+$0x46D8] =	vst v0  }
.LBB2_2:
0x1d: {  	p0 =	sne.s32 s0, $0x179A0;
	[tilespmem:s4+$0x46E0] =	vst v0;
	s4 =	smov.u32 s0;
	s0 =	sadd.s32 $0x60, s0  }
.Ltmp0:
0x1e: {  	(pc) =	sbr.rel @p0 .LBB2_2-.Ltmp0, $3  }
0x1f: {  	_ =	sdelay $0x1  }
0x20: {  	s4 =	sshra.s32 s4, $0x2  }
0x21: {  	[tilespmem:s4+$0x46D8] =	vst v0  }
0x22: {  	[tilespmem:s4+$0x46E0] =	vst v0  }
0x23: {  	[spmem:s29] =	stream.linear.scatter [tilespmem:s18], [sflag:$0x3], $0x5DC0, $0x38;
	[tilespmem:$0x1CA98] =	vst v63  }
0x24: {  	_ =	swait.ge [sflag:s8], $0x5DC0  }
0x25: {  	[sflag:s8] =	ssyncset.done $0x0  }
0x26: {  	s0 =	rddreg [dreg:$0x7];
	[sflag:s8] =	ssyncadd.s32 $0xFFFFA240  }
0x27: {  	[spmem:s0] =	stream.linear.scatter [tilespmem:s18], [sflag:$0x3], $0x5DC0, $0x38;
	[tilespmem:$0x1CA98] =	vst v63  }
0x28: {  	_ =	swait.ge [sflag:s8], $0x5DC0  }
0x29: {  	[sflag:s8] =	ssyncset.done $0x0  }
0x2a: {  	s30 =	rddreg [dreg:$0x8];
	[sflag:s8] =	ssyncadd.s32 $0xFFFFA240  }
0x2b: {  	[spmem:s30] =	stream.linear.scatter [tilespmem:s18], [sflag:$0x3], $0x5DC0, $0x38;
	[tilespmem:$0x1CA98] =	vst v63  }
0x2c: {  	_ =	swait.ge [sflag:s8], $0x5DC0  }
0x2d: {  	[sflag:s8] =	ssyncset.done $0x0  }
0x2e: {  	s31 =	rddreg [dreg:$0x9];
	[sflag:s8] =	ssyncadd.s32 $0xFFFFA240  }
0x2f: {  	[spmem:s31] =	stream.linear.scatter [tilespmem:s18], [sflag:$0x3], $0xC00, $0x38;
	[tilespmem:$0x1CA98] =	vst v63  }
0x30: {  	_ =	swait.ge [sflag:s8], $0xC00  }
0x31: {  	[sflag:s8] =	ssyncset.done $0x0  }
0x32: {  	[sflag:s8] =	ssyncadd.s32 $0xFFFFF400  }
0x33: {  	[bflag:$0x0] =	sbarrier.arrive $0xFFFF  }
0x34: {  	s29 =	simm.s32 $0x0;
	s8 =	simm.s32 $0x3E8;
	s4 =	rddreg [dreg:$0xa]  }
0x35: {  	[tilespmem:s8], [sflag:$0x1] =	stream.linear.gather [hbm4b:s4+s29], $0x3E8, $0x38;
	[tilespmem:$0x1CA98] =	vst v63  }
0x36: {  	s30 =	simm.s32 $0x7D8;
	s9 =	rddreg [dreg:$0xb]  }
0x37: {  	[tilespmem:s30], [sflag:$0x1] =	stream.linear.gather [hbm4b:s9+s29], $0x3E80, $0x38;
	[tilespmem:$0x1CA98] =	vst v63  }
0x38: {  	s31 =	rddreg [dreg:$0xc]  }
0x39: {  	[tilespmem:s29], [sflag:$0x1] =	stream.linear.gather [hbm4b:s31+s29], $0x3E8, $0x38;
	[tilespmem:$0x1CA98] =	vst v63  }
.LBB2_4:
0x3a: {  	_ =	swait.ge [sflag:s22], $0x3E8  }
0x3b: {  	[sflag:s22] =	ssyncset.done $0x0  }
0x3c: {  	[sflag:s22] =	ssyncadd.s32 $0xFFFFFC18  }
0x3d: {  	_ =	swait.ge [sflag:s22], $0x3E80  }
0x3e: {  	[sflag:s22] =	ssyncset.done $0x0  }
0x3f: {  	[sflag:s22] =	ssyncadd.s32 $0xFFFFC180  }
0x40: {  	_ =	swait.ge [sflag:s22], $0x3E8  }
0x41: {  	[sflag:s22] =	ssyncset.done $0x0  }
0x42: {  	s0 =	simm.s32 $0x0;
	[sflag:s22] =	ssyncadd.s32 $0xFFFFFC18  }
0x43: {  	v1 =	vld [tilespmem:s0+$0x3E8];
	_ =	sdelay $0x4  }
0x44: {  	v2 =	vbroadcast v1, $0x0  }
0x45: {  	s30 =	simm.s32 $0x4798  }
0x46: {  	s9 =	simm.s32 $0x858;
	[tilespmem:s30+$0xFFFFFF48] =	vst v2  }
0x47: {  	v3 =	vld [tilespmem:s9+$0xFFFFFF80];
	_ =	sdelay $0x3  }
0x48: {  	v4 =	vbroadcast v1, $0x1  }
0x49: {  	v2 =	vmul.f32 v3, v2  }
0x4a: {  	[tilespmem:s30+$0xFFFFFF60] =	vst v4  }
0x4b: {  	[tilespmem:s30+$0xFFFFFF40] =	vst v2  }
0x4c: {  	v2 =	vld [tilespmem:s9+$0xFFFFFF90];
	_ =	sdelay $0x3  }
0x4d: {  	v3 =	vbroadcast v1, $0x2  }
0x4e: {  	v2 =	vmul.f32 v2, v4  }
0x4f: {  	[tilespmem:s30+$0xFFFFFF78] =	vst v3  }
0x50: {  	[tilespmem:s30+$0xFFFFFF58] =	vst v2  }
0x51: {  	v2 =	vld [tilespmem:s9+$0xFFFFFFA0];
	_ =	sdelay $0x3  }
0x52: {  	v58 =	vbroadcast v1, $0x3  }
0x53: {  	v2 =	vmul.f32 v2, v3  }
0x54: {  	[tilespmem:s30+$0xFFFFFF90] =	vst v58  }
0x55: {  	[tilespmem:s30+$0xFFFFFF70] =	vst v2  }
0x56: {  	v2 =	vld [tilespmem:s9+$0xFFFFFFB0];
	_ =	sdelay $0x3  }
0x57: {  	v3 =	vbroadcast v1, $0x4  }
0x58: {  	v2 =	vmul.f32 v2, v58  }
0x59: {  	[tilespmem:s30+$0xFFFFFFA8] =	vst v3  }
0x5a: {  	[tilespmem:s30+$0xFFFFFF88] =	vst v2  }
0x5b: {  	v2 =	vld [tilespmem:s9+$0xFFFFFFC0];
	_ =	sdelay $0x3  }
0x5c: {  	v59 =	vbroadcast v1, $0x5  }
0x5d: {  	v2 =	vmul.f32 v2, v3  }
0x5e: {  	[tilespmem:s30+$0xFFFFFFC0] =	vst v59  }
0x5f: {  	[tilespmem:s30+$0xFFFFFFA0] =	vst v2  }
0x60: {  	v2 =	vld [tilespmem:s9+$0xFFFFFFD0];
	_ =	sdelay $0x3  }
0x61: {  	v3 =	vbroadcast v1, $0x6  }
0x62: {  	v2 =	vmul.f32 v2, v59  }
0x63: {  	[tilespmem:s30+$0xFFFFFFD8] =	vst v3  }
0x64: {  	[tilespmem:s30+$0xFFFFFFB8] =	vst v2  }
0x65: {  	v2 =	vld [tilespmem:s9+$0xFFFFFFE0];
	_ =	sdelay $0x3  }
0x66: {  	v60 =	vbroadcast v1, $0x7  }
0x67: {  	v2 =	vmul.f32 v2, v3  }
0x68: {  	[tilespmem:s30+$0xFFFFFFF0] =	vst v60  }
0x69: {  	[tilespmem:s30+$0xFFFFFFD0] =	vst v2  }
0x6a: {  	v2 =	vld [tilespmem:s9+$0xFFFFFFF0];
	_ =	sdelay $0x3  }
0x6b: {  	v3 =	vbroadcast v1, $0x8  }
0x6c: {  	v2 =	vmul.f32 v2, v60  }
0x6d: {  	[tilespmem:s30+$0x8] =	vst v3  }
0x6e: {  	[tilespmem:s30+$0xFFFFFFE8] =	vst v2  }
0x6f: {  	v2 =	vld [tilespmem:s9+$0x0];
	_ =	sdelay $0x3  }
0x70: {  	v61 =	vbroadcast v1, $0x9  }
0x71: {  	v2 =	vmul.f32 v2, v3  }
0x72: {  	[tilespmem:s30+$0x20] =	vst v61  }
0x73: {  	[tilespmem:s30+$0x0] =	vst v2  }
0x74: {  	v2 =	vld [tilespmem:s9+$0x10];
	_ =	sdelay $0x3  }
0x75: {  	v3 =	vbroadcast v1, $0xA  }
0x76: {  	v2 =	vmul.f32 v2, v61  }
0x77: {  	[tilespmem:s30+$0x38] =	vst v3  }
0x78: {  	[tilespmem:s30+$0x18] =	vst v2  }
0x79: {  	v2 =	vld [tilespmem:s9+$0x20];
	_ =	sdelay $0x3  }
0x7a: {  	v62 =	vbroadcast v1, $0xB  }
0x7b: {  	v2 =	vmul.f32 v2, v3  }
0x7c: {  	[tilespmem:s30+$0x50] =	vst v62  }
0x7d: {  	[tilespmem:s30+$0x30] =	vst v2  }
0x7e: {  	v2 =	vld [tilespmem:s9+$0x30];
	_ =	sdelay $0x3  }
0x7f: {  	v3 =	vbroadcast v1, $0xC  }
0x80: {  	v2 =	vmul.f32 v2, v62  }
0x81: {  	[tilespmem:s30+$0x68] =	vst v3  }
0x82: {  	[tilespmem:s30+$0x48] =	vst v2  }
0x83: {  	v2 =	vld [tilespmem:s9+$0x40];
	_ =	sdelay $0x3  }
0x84: {  	v63 =	vbroadcast v1, $0xD  }
0x85: {  	v2 =	vmul.f32 v2, v3  }
0x86: {  	[tilespmem:s30+$0x80] =	vst v63  }
0x87: {  	[tilespmem:s30+$0x60] =	vst v2  }
0x88: {  	v2 =	vld [tilespmem:s9+$0x50];
	_ =	sdelay $0x3  }
0x89: {  	v3 =	vbroadcast v1, $0xE  }
0x8a: {  	v2 =	vmul.f32 v2, v63  }
0x8b: {  	[tilespmem:s30+$0x98] =	vst v3  }
0x8c: {  	[tilespmem:s30+$0x78] =	vst v2  }
0x8d: {  	v2 =	vld [tilespmem:s9+$0x60];
	_ =	sdelay $0x3  }
0x8e: {  	v1 =	vbroadcast v1, $0xF  }
0x8f: {  	v2 =	vmul.f32 v2, v3  }
0x90: {  	[tilespmem:s30+$0xB0] =	vst v1  }
0x91: {  	[tilespmem:s30+$0x90] =	vst v2  }
0x92: {  	v2 =	vld [tilespmem:s9+$0x70];
	_ =	sdelay $0x4  }
0x93: {  	s4 =	simm.s32 $0x80;
	s31 =	simm.s32 $0x958;
	s0 =	simm.s32 $0x40;
	v1 =	vmul.f32 v2, v1  }
.LBB2_5:
0x94: {  	s9 =	sshra.s32 s0, $0x2  }
0x95: {  	[tilespmem:s30+$0xA8] =	vst v1;
	s30 =	sadd.s32 $0x180, s30;
	s0 =	smov.u32 s4;
	s8 =	sadd.s32 $0x40, s4  }
0x96: {  	p0 =	sne.s32 s4, $0xF80;
	v1 =	vld [tilespmem:s9+$0x3E8];
	_ =	sdelay $0x4  }
0x97: {  	v2 =	vbroadcast v1, $0x0;
	_ =	sdelay $0x1  }
0x98: {  	[tilespmem:s30+$0xFFFFFF48] =	vst v2  }
0x99: {  	v3 =	vld [tilespmem:s31+$0xFFFFFF80];
	_ =	sdelay $0x3  }
0x9a: {  	v4 =	vbroadcast v1, $0x1  }
0x9b: {  	v2 =	vmul.f32 v3, v2  }
0x9c: {  	[tilespmem:s30+$0xFFFFFF60] =	vst v4  }
0x9d: {  	[tilespmem:s30+$0xFFFFFF40] =	vst v2  }
0x9e: {  	v2 =	vld [tilespmem:s31+$0xFFFFFF90];
	_ =	sdelay $0x3  }
0x9f: {  	v3 =	vbroadcast v1, $0x2  }
0xa0: {  	v2 =	vmul.f32 v2, v4  }
0xa1: {  	[tilespmem:s30+$0xFFFFFF78] =	vst v3  }
0xa2: {  	[tilespmem:s30+$0xFFFFFF58] =	vst v2  }
0xa3: {  	v2 =	vld [tilespmem:s31+$0xFFFFFFA0];
	_ =	sdelay $0x3  }
0xa4: {  	v4 =	vbroadcast v1, $0x3  }
0xa5: {  	v2 =	vmul.f32 v2, v3  }
0xa6: {  	[tilespmem:s30+$0xFFFFFF90] =	vst v4  }
0xa7: {  	[tilespmem:s30+$0xFFFFFF70] =	vst v2  }
0xa8: {  	v2 =	vld [tilespmem:s31+$0xFFFFFFB0];
	_ =	sdelay $0x3  }
0xa9: {  	v3 =	vbroadcast v1, $0x4  }
0xaa: {  	v2 =	vmul.f32 v2, v4  }
0xab: {  	[tilespmem:s30+$0xFFFFFFA8] =	vst v3  }
0xac: {  	[tilespmem:s30+$0xFFFFFF88] =	vst v2  }
0xad: {  	v2 =	vld [tilespmem:s31+$0xFFFFFFC0];
	_ =	sdelay $0x3  }
0xae: {  	v4 =	vbroadcast v1, $0x5  }
0xaf: {  	v2 =	vmul.f32 v2, v3  }
0xb0: {  	[tilespmem:s30+$0xFFFFFFC0] =	vst v4  }
0xb1: {  	[tilespmem:s30+$0xFFFFFFA0] =	vst v2  }
0xb2: {  	v2 =	vld [tilespmem:s31+$0xFFFFFFD0];
	_ =	sdelay $0x3  }
0xb3: {  	v3 =	vbroadcast v1, $0x6  }
0xb4: {  	v2 =	vmul.f32 v2, v4  }
0xb5: {  	[tilespmem:s30+$0xFFFFFFD8] =	vst v3  }
0xb6: {  	[tilespmem:s30+$0xFFFFFFB8] =	vst v2  }
0xb7: {  	v2 =	vld [tilespmem:s31+$0xFFFFFFE0];
	_ =	sdelay $0x3  }
0xb8: {  	v4 =	vbroadcast v1, $0x7  }
0xb9: {  	v2 =	vmul.f32 v2, v3  }
0xba: {  	[tilespmem:s30+$0xFFFFFFF0] =	vst v4  }
0xbb: {  	[tilespmem:s30+$0xFFFFFFD0] =	vst v2  }
0xbc: {  	v2 =	vld [tilespmem:s31+$0xFFFFFFF0];
	_ =	sdelay $0x3  }
0xbd: {  	v3 =	vbroadcast v1, $0x8  }
0xbe: {  	v2 =	vmul.f32 v2, v4  }
0xbf: {  	[tilespmem:s30+$0x8] =	vst v3  }
0xc0: {  	[tilespmem:s30+$0xFFFFFFE8] =	vst v2;
	v2 =	vbroadcast v1, $0x9  }
0xc1: {  	v4 =	vld [tilespmem:s31+$0x0]  }
0xc2: {  	[tilespmem:s30+$0x20] =	vst v2;
	_ =	sdelay $0x3  }
0xc3: {  	v3 =	vmul.f32 v4, v3;
	_ =	sdelay $0x1  }
0xc4: {  	[tilespmem:s30+$0x0] =	vst v3;
	v3 =	vbroadcast v1, $0xA  }
0xc5: {  	v4 =	vld [tilespmem:s31+$0x10]  }
0xc6: {  	[tilespmem:s30+$0x38] =	vst v3;
	_ =	sdelay $0x3  }
0xc7: {  	v2 =	vmul.f32 v4, v2;
	_ =	sdelay $0x1  }
0xc8: {  	[tilespmem:s30+$0x18] =	vst v2;
	v2 =	vbroadcast v1, $0xB  }
0xc9: {  	v4 =	vld [tilespmem:s31+$0x20]  }
0xca: {  	[tilespmem:s30+$0x50] =	vst v2;
	_ =	sdelay $0x3  }
0xcb: {  	v3 =	vmul.f32 v4, v3;
	_ =	sdelay $0x1  }
0xcc: {  	[tilespmem:s30+$0x30] =	vst v3;
	v3 =	vbroadcast v1, $0xC  }
0xcd: {  	v4 =	vld [tilespmem:s31+$0x30]  }
0xce: {  	[tilespmem:s30+$0x68] =	vst v3;
	_ =	sdelay $0x3  }
0xcf: {  	v2 =	vmul.f32 v4, v2;
	_ =	sdelay $0x1  }
0xd0: {  	[tilespmem:s30+$0x48] =	vst v2;
	v2 =	vbroadcast v1, $0xD  }
0xd1: {  	v4 =	vld [tilespmem:s31+$0x40]  }
0xd2: {  	[tilespmem:s30+$0x80] =	vst v2;
	_ =	sdelay $0x3  }
0xd3: {  	v3 =	vmul.f32 v4, v3;
	_ =	sdelay $0x1  }
0xd4: {  	[tilespmem:s30+$0x60] =	vst v3;
	v3 =	vbroadcast v1, $0xE  }
0xd5: {  	v4 =	vld [tilespmem:s31+$0x50]  }
0xd6: {  	[tilespmem:s30+$0x98] =	vst v3;
	_ =	sdelay $0x3  }
0xd7: {  	v2 =	vmul.f32 v4, v2;
	_ =	sdelay $0x1  }
0xd8: {  	v1 =	vbroadcast v1, $0xF;
	[tilespmem:s30+$0x78] =	vst v2  }
0xd9: {  	v2 =	vld [tilespmem:s31+$0x60]  }
0xda: {  	[tilespmem:s30+$0xB0] =	vst v1;
	_ =	sdelay $0x3  }
0xdb: {  	v2 =	vmul.f32 v2, v3;
	_ =	sdelay $0x1  }
0xdc: {  	[tilespmem:s30+$0x90] =	vst v2  }
0xdd: {  	v2 =	vld [tilespmem:s31+$0x70];
	_ =	sdelay $0x1  }
.Ltmp1:
0xde: {  	(pc) =	sbr.rel @p0 .LBB2_5-.Ltmp1, $3  }
0xdf: {  	_ =	sdelay $0x1  }
0xe0: {  	v1 =	vmul.f32 v2, v1  }
0xe1: {  	s4 =	smov.u32 s8;
	s31 =	sadd.s32 $0x100, s31  }
0xe2: {  	s0 =	sshra.s32 s0, $0x2;
	[tilespmem:s30+$0xA8] =	vst v1  }
0xe3: {  	v1 =	vld [tilespmem:s0+$0x3E8];
	_ =	sdelay $0x4  }
0xe4: {  	v2 =	vbroadcast v1, $0x0  }
0xe5: {  	s4 =	sadd.s32 $0x180, s30  }
0xe6: {  	[tilespmem:s4+$0xFFFFFF48] =	vst v2  }
0xe7: {  	v3 =	vld [tilespmem:s31+$0xFFFFFF80];
	_ =	sdelay $0x3  }
0xe8: {  	v4 =	vbroadcast v1, $0x1  }
0xe9: {  	v2 =	vmul.f32 v3, v2  }
0xea: {  	[tilespmem:s4+$0xFFFFFF60] =	vst v4  }
0xeb: {  	[tilespmem:s4+$0xFFFFFF40] =	vst v2  }
0xec: {  	v2 =	vld [tilespmem:s31+$0xFFFFFF90];
	_ =	sdelay $0x3  }
0xed: {  	v3 =	vbroadcast v1, $0x2  }
0xee: {  	v2 =	vmul.f32 v2, v4  }
0xef: {  	[tilespmem:s4+$0xFFFFFF78] =	vst v3  }
0xf0: {  	[tilespmem:s4+$0xFFFFFF58] =	vst v2  }
0xf1: {  	v2 =	vld [tilespmem:s31+$0xFFFFFFA0];
	_ =	sdelay $0x3  }
0xf2: {  	v58 =	vbroadcast v1, $0x3  }
0xf3: {  	v2 =	vmul.f32 v2, v3  }
0xf4: {  	[tilespmem:s4+$0xFFFFFF90] =	vst v58  }
0xf5: {  	[tilespmem:s4+$0xFFFFFF70] =	vst v2  }
0xf6: {  	v2 =	vld [tilespmem:s31+$0xFFFFFFB0];
	_ =	sdelay $0x3  }
0xf7: {  	v3 =	vbroadcast v1, $0x4  }
0xf8: {  	v2 =	vmul.f32 v2, v58  }
0xf9: {  	[tilespmem:s4+$0xFFFFFFA8] =	vst v3  }
0xfa: {  	[tilespmem:s4+$0xFFFFFF88] =	vst v2  }
0xfb: {  	v2 =	vld [tilespmem:s31+$0xFFFFFFC0];
	_ =	sdelay $0x3  }
0xfc: {  	v59 =	vbroadcast v1, $0x5  }
0xfd: {  	v2 =	vmul.f32 v2, v3  }
0xfe: {  	[tilespmem:s4+$0xFFFFFFC0] =	vst v59  }
0xff: {  	[tilespmem:s4+$0xFFFFFFA0] =	vst v2  }
0x100: {  	v2 =	vld [tilespmem:s31+$0xFFFFFFD0];
	_ =	sdelay $0x3  }
0x101: {  	v3 =	vbroadcast v1, $0x6  }
0x102: {  	v2 =	vmul.f32 v2, v59  }
0x103: {  	[tilespmem:s4+$0xFFFFFFD8] =	vst v3  }
0x104: {  	[tilespmem:s4+$0xFFFFFFB8] =	vst v2  }
0x105: {  	v2 =	vld [tilespmem:s31+$0xFFFFFFE0];
	_ =	sdelay $0x3  }
0x106: {  	v60 =	vbroadcast v1, $0x7  }
0x107: {  	v2 =	vmul.f32 v2, v3  }
0x108: {  	[tilespmem:s4+$0xFFFFFFF0] =	vst v60  }
0x109: {  	[tilespmem:s4+$0xFFFFFFD0] =	vst v2  }
0x10a: {  	v2 =	vld [tilespmem:s31+$0xFFFFFFF0];
	_ =	sdelay $0x3  }
0x10b: {  	v3 =	vbroadcast v1, $0x8  }
0x10c: {  	v2 =	vmul.f32 v2, v60  }
0x10d: {  	[tilespmem:s4+$0x8] =	vst v3  }
0x10e: {  	[tilespmem:s4+$0xFFFFFFE8] =	vst v2  }
0x10f: {  	v2 =	vld [tilespmem:s31+$0x0];
	_ =	sdelay $0x3  }
0x110: {  	v61 =	vbroadcast v1, $0x9  }
0x111: {  	v2 =	vmul.f32 v2, v3  }
0x112: {  	[tilespmem:s4+$0x20] =	vst v61  }
0x113: {  	[tilespmem:s4+$0x0] =	vst v2  }
0x114: {  	v2 =	vld [tilespmem:s31+$0x10];
	_ =	sdelay $0x3  }
0x115: {  	v3 =	vbroadcast v1, $0xA  }
0x116: {  	v2 =	vmul.f32 v2, v61  }
0x117: {  	[tilespmem:s4+$0x38] =	vst v3  }
0x118: {  	[tilespmem:s4+$0x18] =	vst v2  }
0x119: {  	v2 =	vld [tilespmem:s31+$0x20];
	_ =	sdelay $0x3  }
0x11a: {  	v62 =	vbroadcast v1, $0xB  }
0x11b: {  	v2 =	vmul.f32 v2, v3  }
0x11c: {  	[tilespmem:s4+$0x50] =	vst v62  }
0x11d: {  	[tilespmem:s4+$0x30] =	vst v2  }
0x11e: {  	v2 =	vld [tilespmem:s31+$0x30];
	_ =	sdelay $0x3  }
0x11f: {  	v3 =	vbroadcast v1, $0xC  }
0x120: {  	v2 =	vmul.f32 v2, v62  }
0x121: {  	[tilespmem:s4+$0x68] =	vst v3  }
0x122: {  	[tilespmem:s4+$0x48] =	vst v2  }
0x123: {  	v2 =	vld [tilespmem:s31+$0x40];
	_ =	sdelay $0x3  }
0x124: {  	v63 =	vbroadcast v1, $0xD  }
0x125: {  	v2 =	vmul.f32 v2, v3  }
0x126: {  	[tilespmem:s4+$0x80] =	vst v63  }
0x127: {  	[tilespmem:s4+$0x60] =	vst v2  }
0x128: {  	v2 =	vld [tilespmem:s31+$0x50];
	_ =	sdelay $0x3  }
0x129: {  	v3 =	vbroadcast v1, $0xE  }
0x12a: {  	v2 =	vmul.f32 v2, v63  }
0x12b: {  	[tilespmem:s4+$0x98] =	vst v3  }
0x12c: {  	[tilespmem:s4+$0x78] =	vst v2  }
0x12d: {  	v2 =	vld [tilespmem:s31+$0x60];
	_ =	sdelay $0x3  }
0x12e: {  	v1 =	vbroadcast v1, $0xF  }
0x12f: {  	v2 =	vmul.f32 v2, v3  }
0x130: {  	[tilespmem:s4+$0xB0] =	vst v1  }
0x131: {  	[tilespmem:s4+$0x90] =	vst v2  }
0x132: {  	v2 =	vld [tilespmem:s31+$0x70]  }
0x133: {  	s9 =	smul.u32 $0x3E8, s29;
	_ =	sdelay $0x1  }
0x134: {  	s8 =	sadd.s32 s9, s15  }
0x135: {  	s0 =	smov.u32 s11;
	p0 =	slt.s32 s8, s11  }
0x136: {  	s0 =	smov.u32 @p0 s8;
	v1 =	vmul.f32 v2, v1  }
0x137: {  	s30 =	rddreg [dreg:$0x2];
	s8 =	sshrl.u32 s0, $0x3  }
0x138: {  	s9 =	sshll.u32 s0, $0x1;
	s31 =	simm.s32 $0x3E8;
	[tilespmem:s4+$0xA8] =	vst v1;
	s4 =	sadd.s32 s30, s8  }
0x139: {  	[tilespmem:s31], [sflag:$0x1] =	stream.linear.gather [hbm4b:s4+s5], $0x3E8, $0x38;
	[tilespmem:$0x1CA98] =	vst v63  }
0x13a: {  	s4 =	sand.u32 $0x1FFFFFF0, s9  }
0x13b: {  	s30 =	simm.s32 $0x7D8;
	s4 =	sadd.s32 s6, s4  }
0x13c: {  	[tilespmem:s30], [sflag:$0x1] =	stream.linear.gather [hbm4b:s4+s5], $0x3E80, $0x38;
	[tilespmem:$0x1CA98] =	vst v63  }
0x13d: {  	_ = 	snop  }
0x13e: {  	[spmem:s3] =	stream.indirect.scatter.add.f32 [tilespmem:s18], [sflag:$0x2], $0x18, s5, s23, $0xb8;
	[tilespmem:$0x1CA98] =	vst v63  }
0x13f: {  	s31 =	simm.s32 $0x4A98  }
0x140: {  	[spmem:s3] =	stream.indirect.scatter.add.f32 [tilespmem:s31], [sflag:$0x2], $0x18, s23, s23, $0xb8;
	[tilespmem:$0x1CA98] =	vst v63  }
0x141: {  	s8 =	simm.s32 $0x50;
	s9 =	simm.s32 $0x4E58  }
0x142: {  	[spmem:s3] =	stream.indirect.scatter.add.f32 [tilespmem:s9], [sflag:$0x2], $0x18, s8, s23, $0xb8;
	[tilespmem:$0x1CA98] =	vst v63  }
0x143: {  	s30 =	simm.s32 $0x78;
	s31 =	simm.s32 $0x5218  }
0x144: {  	[spmem:s3] =	stream.indirect.scatter.add.f32 [tilespmem:s31], [sflag:$0x2], $0x18, s30, s23, $0xb8;
	[tilespmem:$0x1CA98] =	vst v63  }
0x145: {  	s8 =	simm.s32 $0xA0;
	s9 =	simm.s32 $0x55D8  }
0x146: {  	[spmem:s3] =	stream.indirect.scatter.add.f32 [tilespmem:s9], [sflag:$0x2], $0x18, s8, s23, $0xb8;
	[tilespmem:$0x1CA98] =	vst v63  }
0x147: {  	s30 =	simm.s32 $0xC8;
	s31 =	simm.s32 $0x5998  }
0x148: {  	[spmem:s3] =	stream.indirect.scatter.add.f32 [tilespmem:s31], [sflag:$0x2], $0x18, s30, s23, $0xb8;
	[tilespmem:$0x1CA98] =	vst v63  }
0x149: {  	s8 =	simm.s32 $0xF0;
	s9 =	simm.s32 $0x5D58  }
0x14a: {  	[spmem:s3] =	stream.indirect.scatter.add.f32 [tilespmem:s9], [sflag:$0x2], $0x18, s8, s23, $0xb8;
	[tilespmem:$0x1CA98] =	vst v63  }
0x14b: {  	s30 =	simm.s32 $0x118;
	s31 =	simm.s32 $0x6118  }
0x14c: {  	[spmem:s3] =	stream.indirect.scatter.add.f32 [tilespmem:s31], [sflag:$0x2], $0x18, s30, s23, $0xb8;
	[tilespmem:$0x1CA98] =	vst v63  }
0x14d: {  	s8 =	simm.s32 $0x140;
	s9 =	simm.s32 $0x64D8  }
0x14e: {  	[spmem:s3] =	stream.indirect.scatter.add.f32 [tilespmem:s9], [sflag:$0x2], $0x18, s8, s23, $0xb8;
	[tilespmem:$0x1CA98] =	vst v63  }
0x14f: {  	s30 =	simm.s32 $0x168;
	s31 =	simm.s32 $0x6898  }
0x150: {  	[spmem:s3] =	stream.indirect.scatter.add.f32 [tilespmem:s31], [sflag:$0x2], $0x18, s30, s23, $0xb8;
	[tilespmem:$0x1CA98] =	vst v63  }
0x151: {  	s8 =	simm.s32 $0x190;
	s9 =	simm.s32 $0x6C58  }
0x152: {  	[spmem:s3] =	stream.indirect.scatter.add.f32 [tilespmem:s9], [sflag:$0x2], $0x18, s8, s23, $0xb8;
	[tilespmem:$0x1CA98] =	vst v63  }
0x153: {  	s30 =	simm.s32 $0x1B8;
	s31 =	simm.s32 $0x7018  }
0x154: {  	[spmem:s3] =	stream.indirect.scatter.add.f32 [tilespmem:s31], [sflag:$0x2], $0x18, s30, s23, $0xb8;
	[tilespmem:$0x1CA98] =	vst v63  }
0x155: {  	s8 =	simm.s32 $0x1E0;
	s9 =	simm.s32 $0x73D8  }
0x156: {  	[spmem:s3] =	stream.indirect.scatter.add.f32 [tilespmem:s9], [sflag:$0x2], $0x18, s8, s23, $0xb8;
	[tilespmem:$0x1CA98] =	vst v63  }
0x157: {  	s30 =	simm.s32 $0x208;
	s31 =	simm.s32 $0x7798  }
0x158: {  	[spmem:s3] =	stream.indirect.scatter.add.f32 [tilespmem:s31], [sflag:$0x2], $0x18, s30, s23, $0xb8;
	[tilespmem:$0x1CA98] =	vst v63  }
0x159: {  	s8 =	simm.s32 $0x230;
	s9 =	simm.s32 $0x7B58  }
0x15a: {  	[spmem:s3] =	stream.indirect.scatter.add.f32 [tilespmem:s9], [sflag:$0x2], $0x18, s8, s23, $0xb8;
	[tilespmem:$0x1CA98] =	vst v63  }
0x15b: {  	s30 =	simm.s32 $0x258;
	s31 =	simm.s32 $0x7F18  }
0x15c: {  	[spmem:s3] =	stream.indirect.scatter.add.f32 [tilespmem:s31], [sflag:$0x2], $0x18, s30, s23, $0xb8;
	[tilespmem:$0x1CA98] =	vst v63  }
0x15d: {  	s8 =	simm.s32 $0x280;
	s9 =	simm.s32 $0x82D8  }
0x15e: {  	[spmem:s3] =	stream.indirect.scatter.add.f32 [tilespmem:s9], [sflag:$0x2], $0x18, s8, s23, $0xb8;
	[tilespmem:$0x1CA98] =	vst v63  }
0x15f: {  	s30 =	simm.s32 $0x2A8  }
0x160: {  	[spmem:s3] =	stream.indirect.scatter.add.f32 [tilespmem:s10], [sflag:$0x2], $0x18, s30, s23, $0xb8;
	[tilespmem:$0x1CA98] =	vst v63  }
0x161: {  	_ = 	snop  }
0x162: {  	[spmem:s3] =	stream.indirect.scatter.add.f32 [tilespmem:s13], [sflag:$0x2], $0x18, s12, s23, $0xb8;
	[tilespmem:$0x1CA98] =	vst v63  }
0x163: {  	_ = 	snop  }
0x164: {  	[spmem:s3] =	stream.indirect.scatter.add.f32 [tilespmem:s16], [sflag:$0x2], $0x18, s14, s23, $0xb8;
	[tilespmem:$0x1CA98] =	vst v63  }
0x165: {  	_ = 	snop  }
0x166: {  	[spmem:s3] =	stream.indirect.scatter.add.f32 [tilespmem:s20], [sflag:$0x2], $0x18, s17, s23, $0xb8;
	[tilespmem:$0x1CA98] =	vst v63  }
0x167: {  	_ = 	snop  }
0x168: {  	[spmem:s3] =	stream.indirect.scatter.add.f32 [tilespmem:s21], [sflag:$0x2], $0x18, s7, s23, $0xb8;
	[tilespmem:$0x1CA98] =	vst v63  }
0x169: {  	_ = 	snop  }
0x16a: {  	[spmem:s3] =	stream.indirect.scatter.add.f32 [tilespmem:s1], [sflag:$0x2], $0x18, s19, s23, $0xb8;
	[tilespmem:$0x1CA98] =	vst v63  }
0x16b: {  	_ = 	snop  }
0x16c: {  	[spmem:s3] =	stream.indirect.scatter.add.f32 [tilespmem:s24], [sflag:$0x2], $0x18, s2, s23, $0xb8;
	[tilespmem:$0x1CA98] =	vst v63  }
0x16d: {  	_ = 	snop  }
0x16e: {  	[spmem:s3] =	stream.indirect.scatter.add.f32 [tilespmem:s26], [sflag:$0x2], $0x18, s25, s23, $0xb8;
	[tilespmem:$0x1CA98] =	vst v63  }
0x16f: {  	_ =	swait.ge [sflag:s28], $0x3C0  }
0x170: {  	[sflag:s28] =	ssyncset.done $0x0  }
0x171: {  	[sflag:s28] =	ssyncadd.s32 $0xFFFFFC40  }
0x172: {  	_ =	swait.ge [sflag:s28], $0x3C0  }
0x173: {  	[sflag:s28] =	ssyncset.done $0x0  }
0x174: {  	[sflag:s28] =	ssyncadd.s32 $0xFFFFFC40  }
0x175: {  	_ =	swait.ge [sflag:s28], $0x3C0  }
0x176: {  	[sflag:s28] =	ssyncset.done $0x0  }
0x177: {  	[sflag:s28] =	ssyncadd.s32 $0xFFFFFC40  }
0x178: {  	_ =	swait.ge [sflag:s28], $0x3C0  }
0x179: {  	[sflag:s28] =	ssyncset.done $0x0  }
0x17a: {  	[sflag:s28] =	ssyncadd.s32 $0xFFFFFC40  }
0x17b: {  	_ =	swait.ge [sflag:s28], $0x3C0  }
0x17c: {  	[sflag:s28] =	ssyncset.done $0x0  }
0x17d: {  	[sflag:s28] =	ssyncadd.s32 $0xFFFFFC40  }
0x17e: {  	_ =	swait.ge [sflag:s28], $0x3C0  }
0x17f: {  	[sflag:s28] =	ssyncset.done $0x0  }
0x180: {  	[sflag:s28] =	ssyncadd.s32 $0xFFFFFC40  }
0x181: {  	_ =	swait.ge [sflag:s28], $0x3C0  }
0x182: {  	[sflag:s28] =	ssyncset.done $0x0  }
0x183: {  	[sflag:s28] =	ssyncadd.s32 $0xFFFFFC40  }
0x184: {  	_ =	swait.ge [sflag:s28], $0x3C0  }
0x185: {  	[sflag:s28] =	ssyncset.done $0x0  }
0x186: {  	[sflag:s28] =	ssyncadd.s32 $0xFFFFFC40  }
0x187: {  	_ =	swait.ge [sflag:s28], $0x3C0  }
0x188: {  	[sflag:s28] =	ssyncset.done $0x0  }
0x189: {  	[sflag:s28] =	ssyncadd.s32 $0xFFFFFC40  }
0x18a: {  	_ =	swait.ge [sflag:s28], $0x3C0  }
0x18b: {  	[sflag:s28] =	ssyncset.done $0x0  }
0x18c: {  	[sflag:s28] =	ssyncadd.s32 $0xFFFFFC40  }
0x18d: {  	_ =	swait.ge [sflag:s28], $0x3C0  }
0x18e: {  	[sflag:s28] =	ssyncset.done $0x0  }
0x18f: {  	[sflag:s28] =	ssyncadd.s32 $0xFFFFFC40  }
0x190: {  	_ =	swait.ge [sflag:s28], $0x3C0  }
0x191: {  	[sflag:s28] =	ssyncset.done $0x0  }
0x192: {  	[sflag:s28] =	ssyncadd.s32 $0xFFFFFC40  }
0x193: {  	_ =	swait.ge [sflag:s28], $0x3C0  }
0x194: {  	[sflag:s28] =	ssyncset.done $0x0  }
0x195: {  	[sflag:s28] =	ssyncadd.s32 $0xFFFFFC40  }
0x196: {  	_ =	swait.ge [sflag:s28], $0x3C0  }
0x197: {  	[sflag:s28] =	ssyncset.done $0x0  }
0x198: {  	[sflag:s28] =	ssyncadd.s32 $0xFFFFFC40  }
0x199: {  	_ =	swait.ge [sflag:s28], $0x3C0  }
0x19a: {  	[sflag:s28] =	ssyncset.done $0x0  }
0x19b: {  	[sflag:s28] =	ssyncadd.s32 $0xFFFFFC40  }
0x19c: {  	_ =	swait.ge [sflag:s28], $0x3C0  }
0x19d: {  	[sflag:s28] =	ssyncset.done $0x0  }
0x19e: {  	[sflag:s28] =	ssyncadd.s32 $0xFFFFFC40  }
0x19f: {  	_ =	swait.ge [sflag:s28], $0x3C0  }
0x1a0: {  	[sflag:s28] =	ssyncset.done $0x0  }
0x1a1: {  	[sflag:s28] =	ssyncadd.s32 $0xFFFFFC40  }
0x1a2: {  	_ =	swait.ge [sflag:s28], $0x3C0  }
0x1a3: {  	[sflag:s28] =	ssyncset.done $0x0  }
0x1a4: {  	[sflag:s28] =	ssyncadd.s32 $0xFFFFFC40  }
0x1a5: {  	_ =	swait.ge [sflag:s28], $0x3C0  }
0x1a6: {  	[sflag:s28] =	ssyncset.done $0x0  }
0x1a7: {  	[sflag:s28] =	ssyncadd.s32 $0xFFFFFC40  }
0x1a8: {  	_ =	swait.ge [sflag:s28], $0x3C0  }
0x1a9: {  	[sflag:s28] =	ssyncset.done $0x0  }
0x1aa: {  	[sflag:s28] =	ssyncadd.s32 $0xFFFFFC40  }
0x1ab: {  	_ =	swait.ge [sflag:s28], $0x3C0  }
0x1ac: {  	[sflag:s28] =	ssyncset.done $0x0  }
0x1ad: {  	[sflag:s28] =	ssyncadd.s32 $0xFFFFFC40  }
0x1ae: {  	_ =	swait.ge [sflag:s28], $0x3C0  }
0x1af: {  	[sflag:s28] =	ssyncset.done $0x0  }
0x1b0: {  	[sflag:s28] =	ssyncadd.s32 $0xFFFFFC40  }
0x1b1: {  	_ =	swait.ge [sflag:s28], $0x3C0  }
0x1b2: {  	[sflag:s28] =	ssyncset.done $0x0  }
0x1b3: {  	[sflag:s28] =	ssyncadd.s32 $0xFFFFFC40  }
0x1b4: {  	s0 =	smulhi.u32 $0xCCCCCCCD, s0;
	_ =	swait.ge [sflag:s28], $0x3C0  }
0x1b5: {  	[sflag:s28] =	ssyncset.done $0x0  }
0x1b6: {  	s29 =	sadd.s32 $0x1, s29;
	s0 =	sshrl.u32 s0, $0x5;
	[sflag:s28] =	ssyncadd.s32 $0xFFFFFC40  }
0x1b7: {  	p0 =	sne.s32 s29, $0x19;
	s0 =	smul.u32 $0x28, s0;
	_ =	swait.ge [sflag:s28], $0x3C0  }
.Ltmp2:
0x1b8: {  	[sflag:s28] =	ssyncset.done $0x0;
	(pc) =	sbr.rel @p0 .LBB2_4-.Ltmp2, $4  }
0x1b9: {  	[sflag:s28] =	ssyncadd.s32 $0xFFFFFC40  }
0x1ba: {  	s0 =	sshrl.u32 s0, $0x3;
	s31 =	rddreg [dreg:$0x1]  }
0x1bb: {  	s0 =	sadd.s32 s31, s0  }
0x1bc: {  	[tilespmem:s5], [sflag:$0x1] =	stream.linear.gather [hbm4b:s0+s5], $0x3E8, $0x38;
	[tilespmem:$0x1CA98] =	vst v63  }
0x1bd: {  	_ =	swait.ge [sflag:s22], $0x3E8  }
0x1be: {  	[sflag:s22] =	ssyncset.done $0x0  }
0x1bf: {  	[sflag:s22] =	ssyncadd.s32 $0xFFFFFC18  }
0x1c0: {  	_ =	swait.ge [sflag:s22], $0x3E80  }
0x1c1: {  	[sflag:s22] =	ssyncset.done $0x0  }
0x1c2: {  	[sflag:s22] =	ssyncadd.s32 $0xFFFFC180  }
0x1c3: {  	_ =	swait.ge [sflag:s22], $0x3E8  }
0x1c4: {  	[sflag:s22] =	ssyncset.done $0x0  }
0x1c5: {  	[sflag:s22] =	ssyncadd.s32 $0xFFFFFC18  }
0x1c6: {  	s0 =	stileid.u32;
	[bflag:$0x0] =	sbarrier.arrive $0xFFFF  }
0x1c7: {  	s0 =	sshll.u32 s0, $0x6;
	s29 =	rddreg [dreg:$0x6]  }
0x1c8: {  	s0 =	sor.u32 $0x1C03, s0;
	s8 =	rddreg [dreg:$0xd];
	s4 =	sshrl.u32 s29, $0x3  }
0x1c9: {  	[hbm:s8], [sflag:s0] =	dma.local [spmem:s4], $0x24A8  }
0x1ca: {  	s8 =	simm.s32 $0x3  }
0x1cb: {  	_ =	swait.ge [sflag:s8], $0x24A8  }
0x1cc: {  	s30 =	rddreg [dreg:$0xf]  }
0x1cd: {  	s31 =	rddreg [dreg:$0xe];
	s4 =	sadd.s32 $0x1, s30  }
0x1ce: {  	p0 =	sne.s32 s4, s31  }
.Ltmp3:
0x1cf: {  	_ = 	snop;
	(pc) =	sbr.rel @p0 .LBB2_1-.Ltmp3, $3  }
0x1d0: {  	_ =	sdelay $0x1  }
0x1d1: {  	[sflag:s8] =	ssyncset.done $0x0  }
0x1d2: {  	[sflag:s8] =	ssyncadd.s32 $0xFFFFDB58  }
0x1d3: {  	_ =	sfence.sel $0x180000  }
0x1d4: {  	[bflag:$0x0] =	sbarrier.arrive $0xFFFF  }
0x1d5: {  	_ =	strace $0x90000047  }
0x1d6: {  	s0 =	stileid.u32;
	[bflag:$0x2] =	sbarrier.arrive $0xFFFF  }
0x1d7: {  	p0 =	sne.s32 s0, $0x0;
	s0 =	rddreg [dreg:$0x5]  }
0x1d8: {  	s0 =	sadd.s32 @!p0 $0x100000, s0  }
0x1d9: {  	[sflag:s0] =	ssyncadd.tile.s32 @!p0 $0x1;
	_ =	shalt  }
.Lfunc_end2:
_tile_overlayer_lowered:
.L_overlay_start_2:
0x1da: {  	(tag) =	ssettag $0x2  }
0x1db: {  	s0 =	rddreg [dreg:$0x0];
	s2 =	stileid.u32  }
0x1dc: {  	s1 =	rddreg [dreg:$0x1];
	p0 =	sne.s32 s2, $0x0  }
0x1dd: {  	s3 =	rddreg [dreg:$0x2];
	[bflag:$0x3] =	sbarrier.arrive $0xFFFF;
	s2 =	simm.s32 @!p0 $0x1C03  }
0x1de: {  	[timem:s3], [sflag:s2] =	dma.local @!p0 [hbm:s0], s1  }
0x1df: {  	s0 =	simm.s32 @!p0 $0x3  }
0x1e0: {  	_ =	swait.ge @!p0 [sflag:s0], s1  }
0x1e1: {  	s1 =	ssub.s32 @!p0 $0x0, s1;
	[sflag:s0] =	ssyncset.done @!p0 $0x0  }
0x1e2: {  	[sflag:s0] =	ssyncadd.s32 @!p0 s1  }
0x1e3: {  	[bflag:$0x3] =	sbarrier.arrive $0xFFFF  }
0x1e4: {  	_ =	shalt  }

</sc_bundles>
